<compile_context>
chip_gen: v7x
topology: tpu7x:2x2x1
jax: 0.10.2.dev20260603
libtpu: 0.0.44.dev20260713+nightly
codegen_flags: <defaults>
</compile_context>

<pallas_src>
import numpy as np
import jax
import jax.numpy as jnp
from jax import lax
from jax.experimental import pallas as pl
from jax.experimental.pallas import tpu as pltpu, tpu_sc as plsc

F = 9
V = 124
D = 128
N = 50000
NPAIR = 4
VP = V * V
NC, NS = 2, 16
NW = NC * NS
NB = 16
BLK = 98
NPW = NB * BLK
TAIL = N - (NW - 1) * NPW
NBUF = 4
NG = NPAIR + 1
IPT = 16

_PERM = np.empty((D,), dtype=np.int32)
for _g in range(D // 32):
    for _j in range(16):
        _PERM[_g * 32 + 2 * _j] = _g * 32 + _j
        _PERM[_g * 32 + 2 * _j + 1] = _g * 32 + 16 + _j



def _build_body(tab_hbm, p_hbm, ta_v, tb_v, row_v, s0, s1):
    wid = lax.axis_index("s") * NC + lax.axis_index("c")
    k = wid // 8
    s = wid % 8
    i0 = s * IPT
    ni = jnp.where(s == 7, V - 7 * IPT, IPT)
    sem = (s0, s1)

    pltpu.sync_copy(tab_hbm.at[2 * k + 1], tb_v)

    @pl.when(s < 7)
    def _():
        pltpu.sync_copy(tab_hbm.at[2 * k, pl.ds(i0, IPT)], ta_v)

    @pl.when(s == 7)
    def _():
        pltpu.sync_copy(tab_hbm.at[2 * k, pl.ds(i0, V - 7 * IPT)],
                        ta_v.at[pl.ds(0, V - 7 * IPT)])

    def do_pair(ip, carry):
        for b in range(2):
            ii = ip * 2 + b

            @pl.when(jnp.logical_and(ii >= 2, ii < ni))
            def _():
                pltpu.make_async_copy(row_v.at[b], p_hbm.at[pl.ds(0, V)],
                                      sem[b]).wait()

            @pl.when(ii < ni)
            def _():
                a = [ta_v[ii, pl.ds(ch * 32, 32)] for ch in range(D // 32)]

                def do_j(jq, c):
                    for u in range(4):
                        j = jq * 4 + u
                        for ch in range(D // 32):
                            sl = pl.ds(ch * 32, 32)
                            row_v[b, j, sl] = a[ch] + tb_v[j, sl]
                    return c
                lax.fori_loop(0, V // 4, do_j, 0)

                pltpu.async_copy(
                    row_v.at[b],
                    p_hbm.at[pl.ds(k * VP + (i0 + ii) * V, V)], sem[b])
        return carry

    lax.fori_loop(0, IPT // 2, do_pair, 0)

    for b in range(2):
        pltpu.make_async_copy(row_v.at[b], p_hbm.at[pl.ds(0, V)],
                              sem[b]).wait()


@jax.jit
def _build(tables):
    return pl.kernel(
        _build_body,
        out_type=jax.ShapeDtypeStruct((NPAIR * VP, D), jnp.bfloat16),
        mesh=plsc.VectorSubcoreMesh(core_axis_name="c", subcore_axis_name="s"),
        scratch_types=[
            pltpu.VMEM((IPT, D), jnp.bfloat16),
            pltpu.VMEM((V, D), jnp.bfloat16),
            pltpu.VMEM((2, V, D), jnp.bfloat16),
            pltpu.SemaphoreType.DMA,
            pltpu.SemaphoreType.DMA,
        ],
        compiler_params=pltpu.CompilerParams(use_tc_tiling_on_sc=False,
                                             needs_layout_passes=False),
    )(tables)



def _body(idx_hbm, ptab_hbm, stab_hbm, out_hbm, idx_v, pidx_v, buf, out_v,
          *sems):
    wid = lax.axis_index("s") * NC + lax.axis_index("c")
    base0 = wid * NPW
    sg = sems[:NBUF]
    ss = sems[NBUF:]

    @pl.when(wid < NW - 1)
    def _():
        for f in range(F):
            pltpu.sync_copy(idx_hbm.at[f, pl.ds(base0, NPW)], idx_v.at[f])

    @pl.when(wid == NW - 1)
    def _():
        for f in range(F):
            pltpu.sync_copy(idx_hbm.at[f, pl.ds(base0, TAIL)],
                            idx_v.at[f, pl.ds(0, TAIL)])

    def mk_pidx(c, carry):
        sl = pl.ds(c * 16, 16)
        for k in range(NPAIR):
            pidx_v[k, sl] = (idx_v[2 * k, sl] * V + idx_v[2 * k + 1, sl]
                             + k * VP)
        return carry
    lax.fori_loop(0, TAIL // 16, mk_pidx, 0)

    @pl.when(wid < NW - 1)
    def _():
        def mk_pidx_tail(c, carry):
            sl = pl.ds(c * 16, 16)
            for k in range(NPAIR):
                pidx_v[k, sl] = (idx_v[2 * k, sl] * V + idx_v[2 * k + 1, sl]
                                 + k * VP)
            return carry
        lax.fori_loop(TAIL // 16, NPW // 16, mk_pidx_tail, 0)

    def valid(j):
        return jnp.logical_and(j < BLK, base0 + j * NB < N)

    def gathers(j, b):
        descs = [
            pltpu.make_async_copy(ptab_hbm.at[pidx_v.at[k, pl.ds(j * NB, NB)]],
                                  buf.at[b, k], sg[b])
            for k in range(NPAIR)
        ]
        descs.append(
            pltpu.make_async_copy(stab_hbm.at[idx_v.at[F - 1,
                                                       pl.ds(j * NB, NB)]],
                                  buf.at[b, NPAIR], sg[b]))
        return descs

    def fire_gathers(j, b):
        for k in range(NPAIR):
            pltpu.async_copy(ptab_hbm.at[pidx_v.at[k, pl.ds(j * NB, NB)]],
                             buf.at[b, k], sg[b])
        pltpu.async_copy(stab_hbm.at[idx_v.at[F - 1, pl.ds(j * NB, NB)]],
                         buf.at[b, NPAIR], sg[b])

    def store_desc(j, b):
        return pltpu.make_async_copy(out_v.at[b],
                                     out_hbm.at[pl.ds(base0 + j * NB, NB)],
                                     ss[b])

    for j0 in range(NBUF - 1):
        fire_gathers(j0, j0)

    def group(jg, c):
        for b in range(NBUF):
            j = jg * NBUF + b

            @pl.when(jnp.logical_and(j >= NBUF, valid(j - NBUF)))
            def _():
                store_desc(j - NBUF, b).wait()

            @pl.when(valid(j + NBUF - 1))
            def _():
                fire_gathers(j + NBUF - 1, (b + NBUF - 1) % NBUF)

            @pl.when(valid(j))
            def _():
                for dsc in gathers(j, b):
                    dsc.wait()

                def acc_row(r, cc):
                    for ch in range(D // 32):
                        sl = pl.ds(ch * 32, 32)
                        a, bb = plsc.unpack(
                            buf[b, 0, r, sl],
                            format=plsc.PackFormat.INTERLEAVED)
                        for k in range(1, NG):
                            ak, bk = plsc.unpack(
                                buf[b, k, r, sl],
                                format=plsc.PackFormat.INTERLEAVED)
                            a = a + ak
                            bb = bb + bk
                        out_v[b, r, pl.ds(ch * 32, 16)] = a
                        out_v[b, r, pl.ds(ch * 32 + 16, 16)] = bb
                    return cc
                lax.fori_loop(0, NB, acc_row, 0)

                pltpu.async_copy(out_v.at[b],
                                 out_hbm.at[pl.ds(base0 + j * NB, NB)], ss[b])
        return c

    lax.fori_loop(0, BLK // NBUF + 2, group, 0)


@jax.jit
def _sc_embed(node_features, pair_tables, single_table):
    return pl.kernel(
        _body,
        out_type=jax.ShapeDtypeStruct((N, D), jnp.float32),
        mesh=plsc.VectorSubcoreMesh(core_axis_name="c", subcore_axis_name="s"),
        scratch_types=[
            pltpu.VMEM((F, NPW), jnp.int32),
            pltpu.VMEM((NPAIR, NPW), jnp.int32),
            pltpu.VMEM((NBUF, NG, NB, D), jnp.bfloat16),
            pltpu.VMEM((NBUF, NB, D), jnp.float32),
        ] + [pltpu.SemaphoreType.DMA] * (2 * NBUF),
        compiler_params=pltpu.CompilerParams(use_tc_tiling_on_sc=False,
                                             needs_layout_passes=False),
    )(node_features, pair_tables, single_table)


def kernel(node_features, tables):
    tables_pb = tables[:, :, _PERM].astype(jnp.bfloat16)
    pair_tables = _build(tables_pb)
    single_table = tables_pb[F - 1]
    return _sc_embed(node_features, pair_tables, single_table)

# --- scband reference (transcript-rebuilt; emitter-appended) ---
"""Pipeline reference for scband-atom-embedding-80685255622661 (READ-ONLY COPY).

The authoritative reference and input builder live on the scoring server;
editing this copy changes nothing except your own understanding.
"""

import jax, jax.numpy as jnp
import numpy as np

N_NAMES = 9   # len(atom_names), e.g. atomic_num, formal_charge, degree, chiral_tag, total_numHs, is_aromatic, hybridization, num_radical_e, in_num_ring
VOCAB = 124   # CompoundKit.get_atom_feature_size(name) + 5 (uniform for all names here)
N_NODES = 50000
EMBED_DIM = 128


def setup_inputs(seed: int = 0) -> dict:
    key = jax.random.key(seed)
    k_idx, k_tab = jax.random.split(key)
    node_features = jax.random.randint(k_idx, (N_NAMES, N_NODES), 0, VOCAB, dtype=jnp.int32)
    # stacked embedding tables, one per atom feature name
    tables = jax.random.normal(k_tab, (N_NAMES, VOCAB, EMBED_DIM), dtype=jnp.float32) * 0.02
    return {"node_features": node_features, "tables": tables}


def reference(node_features, tables):
    # out_embed = sum_i embed_list[i](node_features[i])
    n = node_features.shape[1]
    d = tables.shape[2]
    out = jnp.zeros((n, d), dtype=tables.dtype)
    for i in range(tables.shape[0]):
        out = out + jnp.take(tables[i], node_features[i], axis=0)
    return out

if __name__ == "__main__":
    import jax
    _d = setup_inputs()
    print(jax.jit(kernel)(*tuple(_d.values())))

</pallas_src>

<mosaic_0001>
#map = affine_map<(d0, d1) -> (0, 0, 0)>
#map1 = affine_map<(d0, d1) -> (0, 0)>
module attributes {stable_mosaic.version = 14 : i64} {
  func.func @_build_body(%arg0: i32, %arg1: i32, %arg2: memref<9x124x128xbf16, #tpu.memory_space<hbm>>, %arg3: memref<61504x128xbf16, #tpu.memory_space<hbm>>, %arg4: memref<16x128xbf16, #tpu.memory_space<vmem>>, %arg5: memref<124x128xbf16, #tpu.memory_space<vmem>>, %arg6: memref<2x124x128xbf16, #tpu.memory_space<vmem>>, %arg7: memref<!tpu.dma_semaphore, #tpu.memory_space<semaphore_mem>>, %arg8: memref<!tpu.dma_semaphore, #tpu.memory_space<semaphore_mem>>) attributes {dimension_semantics = [#tpu.dimension_semantics<core_parallel>, #tpu.dimension_semantics<subcore_parallel>], iteration_bounds = array<i64: 2, 16>, scalar_prefetch = 0 : i64, scratch_operands = 5 : i64, tpu.core_type = #tpu.core_type<sc_vector_subcore>, window_params = [{transform_indices = #map}, {transform_indices = #map1}]} {
    %mul3A = arith.constant 2 : i32
    %mul3A_0 = arith.muli %arg1, %mul3A : i32
    %add3A = arith.addi %mul3A_0, %arg0 : i32
    %jit3A = arith.constant 8 : i32
    %div3A = arith.divsi %add3A, %jit3A : i32
    %sign3A = arith.constant 0 : i32
    %sign3A_1 = arith.cmpi sgt, %add3A, %sign3A : i32
    %sign3A_2 = arith.extui %sign3A_1 : i1 to i32
    %sign3A_3 = arith.constant 0 : i32
    %sign3A_4 = arith.cmpi slt, %add3A, %sign3A_3 : i32
    %sign3A_5 = arith.extui %sign3A_4 : i1 to i32
    %sign3A_6 = arith.subi %sign3A_2, %sign3A_5 : i32
    %sign3A_7 = arith.constant 0 : i32
    %sign3A_8 = arith.cmpi sgt, %jit3A, %sign3A_7 : i32
    %sign3A_9 = arith.extui %sign3A_8 : i1 to i32
    %sign3A_10 = arith.constant 0 : i32
    %sign3A_11 = arith.cmpi slt, %jit3A, %sign3A_10 : i32
    %sign3A_12 = arith.extui %sign3A_11 : i1 to i32
    %sign3A_13 = arith.subi %sign3A_9, %sign3A_12 : i32
    %ne3A = arith.cmpi ne, %sign3A_6, %sign3A_13 : i32
    %rem3A = arith.remsi %add3A, %jit3A : i32
    %ne3A_14 = arith.constant 0 : i32
    %ne3A_15 = arith.cmpi ne, %rem3A, %ne3A_14 : i32
    %and3A = arith.andi %ne3A, %ne3A_15 : i1
    %sub3A = arith.constant 1 : i32
    %sub3A_16 = arith.subi %div3A, %sub3A : i32
    %select_n3A = arith.select %and3A, %sub3A_16, %div3A : i32
    %jit3A_17 = arith.constant 8 : i32
    %eq3A = arith.constant 0 : i32
    %eq3A_18 = arith.cmpi eq, %jit3A_17, %eq3A : i32
    %jit3A_19 = arith.constant 1 : i32
    %select_n3A_20 = arith.select %eq3A_18, %jit3A_19, %jit3A_17 : i32
    %rem3A_21 = arith.remsi %add3A, %select_n3A_20 : i32
    %ne3A_22 = arith.constant 0 : i32
    %ne3A_23 = arith.cmpi ne, %rem3A_21, %ne3A_22 : i32
    %lt3A = arith.constant 0 : i32
    %lt3A_24 = arith.cmpi slt, %rem3A_21, %lt3A : i32
    %lt3A_25 = arith.constant 0 : i32
    %lt3A_26 = arith.cmpi slt, %select_n3A_20, %lt3A_25 : i32
    %ne3A_27 = arith.xori %lt3A_24, %lt3A_26 : i1
    %and3A_28 = arith.andi %ne3A_27, %ne3A_23 : i1
    %add3A_29 = arith.addi %rem3A_21, %select_n3A_20 : i32
    %select_n3A_30 = arith.select %and3A_28, %add3A_29, %rem3A_21 : i32
    %mul3A_31 = arith.constant 16 : i32
    %mul3A_32 = arith.muli %select_n3A_30, %mul3A_31 : i32
    %eq3A_33 = arith.constant 7 : i32
    %eq3A_34 = arith.cmpi eq, %select_n3A_30, %eq3A_33 : i32
    %jit3A_35 = arith.constant 12 : i32
    %jit3A_36 = arith.constant 16 : i32
    %select_n3A_37 = arith.select %eq3A_34, %jit3A_35, %jit3A_36 : i32
    %mul3A_38 = arith.constant 2 : i32
    %mul3A_39 = arith.muli %mul3A_38, %select_n3A : i32
    %add3A_40 = arith.constant 1 : i32
    %add3A_41 = arith.addi %mul3A_39, %add3A_40 : i32
    "tpu.region"() ({
      %run_scoped3A = tpu.sem_alloc : memref<!tpu.dma_semaphore, #tpu.memory_space<semaphore_mem>>
      %dma_start3A = arith.constant 0 : i32
      %dma_start3A_84 = arith.constant 0 : i32
      %dma_start3A_85 = tpu.memref_slice %arg2[%add3A_41, %dma_start3A, %dma_start3A_84] : memref<9x124x128xbf16, #tpu.memory_space<hbm>> -> memref<1x124x128xbf16, #tpu.memory_space<hbm>>
      %dma_start3A_86 = tpu.memref_squeeze %dma_start3A_85 : memref<1x124x128xbf16, #tpu.memory_space<hbm>> -> memref<124x128xbf16, #tpu.memory_space<hbm>>
      %dma_start3A_87 = arith.constant 0 : i32
      %dma_start3A_88 = arith.constant 0 : i32
      %dma_start3A_89 = tpu.memref_slice %arg2[%add3A_41, %dma_start3A_87, %dma_start3A_88] : memref<9x124x128xbf16, #tpu.memory_space<hbm>> -> memref<1x124x128xbf16, #tpu.memory_space<hbm>>
      %dma_start3A_90 = tpu.memref_squeeze %dma_start3A_89 : memref<1x124x128xbf16, #tpu.memory_space<hbm>> -> memref<124x128xbf16, #tpu.memory_space<hbm>>
      tpu.enqueue_dma source(%dma_start3A_90 : memref<124x128xbf16, #tpu.memory_space<hbm>>) target(%arg5 : memref<124x128xbf16, #tpu.memory_space<vmem>>) target_semaphore(%run_scoped3A : memref<!tpu.dma_semaphore, #tpu.memory_space<semaphore_mem>>)
      %dma_wait3A_91 = arith.constant 0 : i32
      %dma_wait3A_92 = arith.constant 0 : i32
      %dma_wait3A_93 = tpu.memref_slice %arg2[%add3A_41, %dma_wait3A_91, %dma_wait3A_92] : memref<9x124x128xbf16, #tpu.memory_space<hbm>> -> memref<1x124x128xbf16, #tpu.memory_space<hbm>>
      %dma_wait3A_94 = tpu.memref_squeeze %dma_wait3A_93 : memref<1x124x128xbf16, #tpu.memory_space<hbm>> -> memref<124x128xbf16, #tpu.memory_space<hbm>>
      %dma_wait3A_95 = arith.constant 0 : i32
      %dma_wait3A_96 = arith.constant 0 : i32
      %dma_wait3A_97 = tpu.memref_slice %arg2[%add3A_41, %dma_wait3A_95, %dma_wait3A_96] : memref<9x124x128xbf16, #tpu.memory_space<hbm>> -> memref<1x124x128xbf16, #tpu.memory_space<hbm>>
      %dma_wait3A_98 = tpu.memref_squeeze %dma_wait3A_97 : memref<1x124x128xbf16, #tpu.memory_space<hbm>> -> memref<124x128xbf16, #tpu.memory_space<hbm>>
      tpu.wait_dma2 semaphore(%run_scoped3A : memref<!tpu.dma_semaphore, #tpu.memory_space<semaphore_mem>>) src(%dma_wait3A_98 : memref<124x128xbf16, #tpu.memory_space<hbm>>) dst(%arg5 : memref<124x128xbf16, #tpu.memory_space<vmem>>)
      tpu.yield
    }) : () -> ()
    %lt3A_42 = arith.constant 7 : i32
    %lt3A_43 = arith.cmpi slt, %select_n3A_30, %lt3A_42 : i32
    %convert_element_type3A = arith.extui %lt3A_43 : i1 to i32
    %cond3A = arith.constant 0 : i32
    %cond3A_44 = arith.cmpi ne, %convert_element_type3A, %cond3A : i32
    scf.if %cond3A_44 {
      %mul3A_84 = arith.constant 2 : i32
      %mul3A_85 = arith.muli %mul3A_84, %select_n3A : i32
      "tpu.region"() ({
        %run_scoped3A = tpu.sem_alloc : memref<!tpu.dma_semaphore, #tpu.memory_space<semaphore_mem>>
        %dma_start3A = arith.constant 0 : i32
        %dma_start3A_86 = tpu.memref_slice %arg2[%mul3A_85, %mul3A_32, %dma_start3A] : memref<9x124x128xbf16, #tpu.memory_space<hbm>> -> memref<1x16x128xbf16, #tpu.memory_space<hbm>>
        %dma_start3A_87 = tpu.memref_squeeze %dma_start3A_86 : memref<1x16x128xbf16, #tpu.memory_space<hbm>> -> memref<16x128xbf16, #tpu.memory_space<hbm>>
        %dma_start3A_88 = arith.constant 0 : i32
        %dma_start3A_89 = tpu.memref_slice %arg2[%mul3A_85, %mul3A_32, %dma_start3A_88] : memref<9x124x128xbf16, #tpu.memory_space<hbm>> -> memref<1x16x128xbf16, #tpu.memory_space<hbm>>
        %dma_start3A_90 = tpu.memref_squeeze %dma_start3A_89 : memref<1x16x128xbf16, #tpu.memory_space<hbm>> -> memref<16x128xbf16, #tpu.memory_space<hbm>>
        tpu.enqueue_dma source(%dma_start3A_90 : memref<16x128xbf16, #tpu.memory_space<hbm>>) target(%arg4 : memref<16x128xbf16, #tpu.memory_space<vmem>>) target_semaphore(%run_scoped3A : memref<!tpu.dma_semaphore, #tpu.memory_space<semaphore_mem>>)
        %dma_wait3A_91 = arith.constant 0 : i32
        %dma_wait3A_92 = tpu.memref_slice %arg2[%mul3A_85, %mul3A_32, %dma_wait3A_91] : memref<9x124x128xbf16, #tpu.memory_space<hbm>> -> memref<1x16x128xbf16, #tpu.memory_space<hbm>>
        %dma_wait3A_93 = tpu.memref_squeeze %dma_wait3A_92 : memref<1x16x128xbf16, #tpu.memory_space<hbm>> -> memref<16x128xbf16, #tpu.memory_space<hbm>>
        %dma_wait3A_94 = arith.constant 0 : i32
        %dma_wait3A_95 = tpu.memref_slice %arg2[%mul3A_85, %mul3A_32, %dma_wait3A_94] : memref<9x124x128xbf16, #tpu.memory_space<hbm>> -> memref<1x16x128xbf16, #tpu.memory_space<hbm>>
        %dma_wait3A_96 = tpu.memref_squeeze %dma_wait3A_95 : memref<1x16x128xbf16, #tpu.memory_space<hbm>> -> memref<16x128xbf16, #tpu.memory_space<hbm>>
        tpu.wait_dma2 semaphore(%run_scoped3A : memref<!tpu.dma_semaphore, #tpu.memory_space<semaphore_mem>>) src(%dma_wait3A_96 : memref<16x128xbf16, #tpu.memory_space<hbm>>) dst(%arg4 : memref<16x128xbf16, #tpu.memory_space<vmem>>)
        tpu.yield
      }) : () -> ()
    } else {
    }
    %eq3A_45 = arith.constant 7 : i32
    %eq3A_46 = arith.cmpi eq, %select_n3A_30, %eq3A_45 : i32
    %convert_element_type3A_47 = arith.extui %eq3A_46 : i1 to i32
    %cond3A_48 = arith.constant 0 : i32
    %cond3A_49 = arith.cmpi ne, %convert_element_type3A_47, %cond3A_48 : i32
    scf.if %cond3A_49 {
      %mul3A_84 = arith.constant 2 : i32
      %mul3A_85 = arith.muli %mul3A_84, %select_n3A : i32
      "tpu.region"() ({
        %run_scoped3A = tpu.sem_alloc : memref<!tpu.dma_semaphore, #tpu.memory_space<semaphore_mem>>
        %dma_start3A = arith.constant 0 : i32
        %dma_start3A_86 = arith.constant 0 : i32
        %dma_start3A_87 = tpu.memref_slice %arg4[%dma_start3A, %dma_start3A_86] : memref<16x128xbf16, #tpu.memory_space<vmem>> -> memref<12x128xbf16, #tpu.memory_space<vmem>>
        %dma_start3A_88 = arith.constant 0 : i32
        %dma_start3A_89 = tpu.memref_slice %arg2[%mul3A_85, %mul3A_32, %dma_start3A_88] : memref<9x124x128xbf16, #tpu.memory_space<hbm>> -> memref<1x12x128xbf16, #tpu.memory_space<hbm>>
        %dma_start3A_90 = tpu.memref_squeeze %dma_start3A_89 : memref<1x12x128xbf16, #tpu.memory_space<hbm>> -> memref<12x128xbf16, #tpu.memory_space<hbm>>
        %dma_start3A_91 = arith.constant 0 : i32
        %dma_start3A_92 = arith.constant 0 : i32
        %dma_start3A_93 = tpu.memref_slice %arg4[%dma_start3A_91, %dma_start3A_92] : memref<16x128xbf16, #tpu.memory_space<vmem>> -> memref<12x128xbf16, #tpu.memory_space<vmem>>
        %dma_start3A_94 = arith.constant 0 : i32
        %dma_start3A_95 = tpu.memref_slice %arg2[%mul3A_85, %mul3A_32, %dma_start3A_94] : memref<9x124x128xbf16, #tpu.memory_space<hbm>> -> memref<1x12x128xbf16, #tpu.memory_space<hbm>>
        %dma_start3A_96 = tpu.memref_squeeze %dma_start3A_95 : memref<1x12x128xbf16, #tpu.memory_space<hbm>> -> memref<12x128xbf16, #tpu.memory_space<hbm>>
        tpu.enqueue_dma source(%dma_start3A_96 : memref<12x128xbf16, #tpu.memory_space<hbm>>) target(%dma_start3A_93 : memref<12x128xbf16, #tpu.memory_space<vmem>>) target_semaphore(%run_scoped3A : memref<!tpu.dma_semaphore, #tpu.memory_space<semaphore_mem>>)
        %dma_wait3A_97 = arith.constant 0 : i32
        %dma_wait3A_98 = arith.constant 0 : i32
        %dma_wait3A_99 = tpu.memref_slice %arg4[%dma_wait3A_97, %dma_wait3A_98] : memref<16x128xbf16, #tpu.memory_space<vmem>> -> memref<12x128xbf16, #tpu.memory_space<vmem>>
        %dma_wait3A_100 = arith.constant 0 : i32
        %dma_wait3A_101 = tpu.memref_slice %arg2[%mul3A_85, %mul3A_32, %dma_wait3A_100] : memref<9x124x128xbf16, #tpu.memory_space<hbm>> -> memref<1x12x128xbf16, #tpu.memory_space<hbm>>
        %dma_wait3A_102 = tpu.memref_squeeze %dma_wait3A_101 : memref<1x12x128xbf16, #tpu.memory_space<hbm>> -> memref<12x128xbf16, #tpu.memory_space<hbm>>
        %dma_wait3A_103 = arith.constant 0 : i32
        %dma_wait3A_104 = arith.constant 0 : i32
        %dma_wait3A_105 = tpu.memref_slice %arg4[%dma_wait3A_103, %dma_wait3A_104] : memref<16x128xbf16, #tpu.memory_space<vmem>> -> memref<12x128xbf16, #tpu.memory_space<vmem>>
        %dma_wait3A_106 = arith.constant 0 : i32
        %dma_wait3A_107 = tpu.memref_slice %arg2[%mul3A_85, %mul3A_32, %dma_wait3A_106] : memref<9x124x128xbf16, #tpu.memory_space<hbm>> -> memref<1x12x128xbf16, #tpu.memory_space<hbm>>
        %dma_wait3A_108 = tpu.memref_squeeze %dma_wait3A_107 : memref<1x12x128xbf16, #tpu.memory_space<hbm>> -> memref<12x128xbf16, #tpu.memory_space<hbm>>
        tpu.wait_dma2 semaphore(%run_scoped3A : memref<!tpu.dma_semaphore, #tpu.memory_space<semaphore_mem>>) src(%dma_wait3A_108 : memref<12x128xbf16, #tpu.memory_space<hbm>>) dst(%dma_wait3A_105 : memref<12x128xbf16, #tpu.memory_space<vmem>>)
        tpu.yield
      }) : () -> ()
    } else {
    }
    %scan3A = arith.constant 0 : i32
    %scan3A_50 = arith.constant 0 : i32
    %scan3A_51 = arith.constant 8 : i32
    %scan3A_52 = arith.addi %scan3A_50, %scan3A_51 : i32
    %scan3A_53 = arith.constant 1 : i32
    scf.for %scan3A_84 = %scan3A_50 to %scan3A_52 step %scan3A_53  : i32 {
      %mul3A_85 = arith.constant 2 : i32
      %mul3A_86 = arith.muli %scan3A_84, %mul3A_85 : i32
      %add3A_87 = arith.constant 0 : i32
      %add3A_88 = arith.addi %mul3A_86, %add3A_87 : i32
      %ge3A = arith.constant 2 : i32
      %ge3A_89 = arith.cmpi sge, %add3A_88, %ge3A : i32
      %lt3A_90 = arith.cmpi slt, %add3A_88, %select_n3A_37 : i32
      %and3A_91 = arith.andi %ge3A_89, %lt3A_90 : i1
      %convert_element_type3A_92 = arith.extui %and3A_91 : i1 to i32
      %cond3A_93 = arith.constant 0 : i32
      %cond3A_94 = arith.cmpi ne, %convert_element_type3A_92, %cond3A_93 : i32
      scf.if %cond3A_94 {
        %dma_wait3A_114 = arith.constant 0 : i32
        %dma_wait3A_115 = arith.constant 0 : i32
        %dma_wait3A_116 = arith.constant 0 : i32
        %dma_wait3A_117 = tpu.memref_slice %arg6[%dma_wait3A_114, %dma_wait3A_115, %dma_wait3A_116] : memref<2x124x128xbf16, #tpu.memory_space<vmem>> -> memref<1x124x128xbf16, #tpu.memory_space<vmem>>
        %dma_wait3A_118 = tpu.memref_squeeze %dma_wait3A_117 : memref<1x124x128xbf16, #tpu.memory_space<vmem>> -> memref<124x128xbf16, #tpu.memory_space<vmem>>
        %dma_wait3A_119 = arith.constant 0 : i32
        %dma_wait3A_120 = arith.constant 0 : i32
        %dma_wait3A_121 = tpu.memref_slice %arg3[%dma_wait3A_119, %dma_wait3A_120] : memref<61504x128xbf16, #tpu.memory_space<hbm>> -> memref<124x128xbf16, #tpu.memory_space<hbm>>
        %dma_wait3A_122 = arith.constant 0 : i32
        %dma_wait3A_123 = arith.constant 0 : i32
        %dma_wait3A_124 = tpu.memref_slice %arg3[%dma_wait3A_122, %dma_wait3A_123] : memref<61504x128xbf16, #tpu.memory_space<hbm>> -> memref<124x128xbf16, #tpu.memory_space<hbm>>
        %dma_wait3A_125 = arith.constant 0 : i32
        %dma_wait3A_126 = arith.constant 0 : i32
        %dma_wait3A_127 = tpu.memref_slice %arg6[%dma_wait3A_114, %dma_wait3A_125, %dma_wait3A_126] : memref<2x124x128xbf16, #tpu.memory_space<vmem>> -> memref<1x124x128xbf16, #tpu.memory_space<vmem>>
        %dma_wait3A_128 = tpu.memref_squeeze %dma_wait3A_127 : memref<1x124x128xbf16, #tpu.memory_space<vmem>> -> memref<124x128xbf16, #tpu.memory_space<vmem>>
        tpu.wait_dma2 semaphore(%arg7 : memref<!tpu.dma_semaphore, #tpu.memory_space<semaphore_mem>>) src(%dma_wait3A_128 : memref<124x128xbf16, #tpu.memory_space<vmem>>) dst(%dma_wait3A_124 : memref<124x128xbf16, #tpu.memory_space<hbm>>)
      } else {
      }
      %lt3A_95 = arith.cmpi slt, %add3A_88, %select_n3A_37 : i32
      %convert_element_type3A_96 = arith.extui %lt3A_95 : i1 to i32
      %cond3A_97 = arith.constant 0 : i32
      %cond3A_98 = arith.cmpi ne, %convert_element_type3A_96, %cond3A_97 : i32
      scf.if %cond3A_98 {
        %get3A = arith.index_cast %add3A_88 : i32 to index
        %get3A_114 = arith.constant 0 : index
        %get3A_115 = tpu.vector_load %arg4[%get3A, %get3A_114] {strides = array<i32>} : memref<16x128xbf16, #tpu.memory_space<vmem>>, vector<32xbf16>,
        %get3A_116 = arith.index_cast %add3A_88 : i32 to index
        %get3A_117 = arith.constant 32 : index
        %get3A_118 = tpu.vector_load %arg4[%get3A_116, %get3A_117] {strides = array<i32>} : memref<16x128xbf16, #tpu.memory_space<vmem>>, vector<32xbf16>,
        %get3A_119 = arith.index_cast %add3A_88 : i32 to index
        %get3A_120 = arith.constant 64 : index
        %get3A_121 = tpu.vector_load %arg4[%get3A_119, %get3A_120] {strides = array<i32>} : memref<16x128xbf16, #tpu.memory_space<vmem>>, vector<32xbf16>,
        %get3A_122 = arith.index_cast %add3A_88 : i32 to index
        %get3A_123 = arith.constant 96 : index
        %get3A_124 = tpu.vector_load %arg4[%get3A_122, %get3A_123] {strides = array<i32>} : memref<16x128xbf16, #tpu.memory_space<vmem>>, vector<32xbf16>,
        %scan3A_125 = arith.constant 0 : i32
        %scan3A_126 = arith.constant 0 : i32
        %scan3A_127 = arith.constant 31 : i32
        %scan3A_128 = arith.addi %scan3A_126, %scan3A_127 : i32
        %scan3A_129 = arith.constant 1 : i32
        scf.for %scan3A_149 = %scan3A_126 to %scan3A_128 step %scan3A_129  : i32 {
          %mul3A_150 = arith.constant 4 : i32
          %mul3A_151 = arith.muli %scan3A_149, %mul3A_150 : i32
          %add3A_152 = arith.constant 0 : i32
          %add3A_153 = arith.addi %mul3A_151, %add3A_152 : i32
          %get3A_154 = arith.index_cast %add3A_153 : i32 to index
          %get3A_155 = arith.constant 0 : index
          %get3A_156 = tpu.vector_load %arg5[%get3A_154, %get3A_155] {strides = array<i32>} : memref<124x128xbf16, #tpu.memory_space<vmem>>, vector<32xbf16>,
          %add3A_157 = arith.addf %get3A_115, %get3A_156 : vector<32xbf16>
          %swap3A = arith.constant 0 : i32
          %swap3A_158 = arith.index_cast %swap3A : i32 to index
          %swap3A_159 = arith.index_cast %add3A_153 : i32 to index
          %swap3A_160 = arith.constant 0 : index
          %swap3A_161 = tpu.vector_load %arg6[%swap3A_158, %swap3A_159, %swap3A_160] {strides = array<i32>} : memref<2x124x128xbf16, #tpu.memory_space<vmem>>, vector<32xbf16>,
          tpu.vector_store %arg6[%swap3A_158, %swap3A_159, %swap3A_160], %add3A_157 {strides = array<i32>} : memref<2x124x128xbf16, #tpu.memory_space<vmem>>, vector<32xbf16>,
          %get3A_162 = arith.index_cast %add3A_153 : i32 to index
          %get3A_163 = arith.constant 32 : index
          %get3A_164 = tpu.vector_load %arg5[%get3A_162, %get3A_163] {strides = array<i32>} : memref<124x128xbf16, #tpu.memory_space<vmem>>, vector<32xbf16>,
          %add3A_165 = arith.addf %get3A_118, %get3A_164 : vector<32xbf16>
          %swap3A_166 = arith.constant 0 : i32
          %swap3A_167 = arith.index_cast %swap3A_166 : i32 to index
          %swap3A_168 = arith.index_cast %add3A_153 : i32 to index
          %swap3A_169 = arith.constant 32 : index
          %swap3A_170 = tpu.vector_load %arg6[%swap3A_167, %swap3A_168, %swap3A_169] {strides = array<i32>} : memref<2x124x128xbf16, #tpu.memory_space<vmem>>, vector<32xbf16>,
          tpu.vector_store %arg6[%swap3A_167, %swap3A_168, %swap3A_169], %add3A_165 {strides = array<i32>} : memref<2x124x128xbf16, #tpu.memory_space<vmem>>, vector<32xbf16>,
          %get3A_171 = arith.index_cast %add3A_153 : i32 to index
          %get3A_172 = arith.constant 64 : index
          %get3A_173 = tpu.vector_load %arg5[%get3A_171, %get3A_172] {strides = array<i32>} : memref<124x128xbf16, #tpu.memory_space<vmem>>, vector<32xbf16>,
          %add3A_174 = arith.addf %get3A_121, %get3A_173 : vector<32xbf16>
          %swap3A_175 = arith.constant 0 : i32
          %swap3A_176 = arith.index_cast %swap3A_175 : i32 to index
          %swap3A_177 = arith.index_cast %add3A_153 : i32 to index
          %swap3A_178 = arith.constant 64 : index
          %swap3A_179 = tpu.vector_load %arg6[%swap3A_176, %swap3A_177, %swap3A_178] {strides = array<i32>} : memref<2x124x128xbf16, #tpu.memory_space<vmem>>, vector<32xbf16>,
          tpu.vector_store %arg6[%swap3A_176, %swap3A_177, %swap3A_178], %add3A_174 {strides = array<i32>} : memref<2x124x128xbf16, #tpu.memory_space<vmem>>, vector<32xbf16>,
          %get3A_180 = arith.index_cast %add3A_153 : i32 to index
          %get3A_181 = arith.constant 96 : index
          %get3A_182 = tpu.vector_load %arg5[%get3A_180, %get3A_181] {strides = array<i32>} : memref<124x128xbf16, #tpu.memory_space<vmem>>, vector<32xbf16>,
          %add3A_183 = arith.addf %get3A_124, %get3A_182 : vector<32xbf16>
          %swap3A_184 = arith.constant 0 : i32
          %swap3A_185 = arith.index_cast %swap3A_184 : i32 to index
          %swap3A_186 = arith.index_cast %add3A_153 : i32 to index
          %swap3A_187 = arith.constant 96 : index
          %swap3A_188 = tpu.vector_load %arg6[%swap3A_185, %swap3A_186, %swap3A_187] {strides = array<i32>} : memref<2x124x128xbf16, #tpu.memory_space<vmem>>, vector<32xbf16>,
          tpu.vector_store %arg6[%swap3A_185, %swap3A_186, %swap3A_187], %add3A_183 {strides = array<i32>} : memref<2x124x128xbf16, #tpu.memory_space<vmem>>, vector<32xbf16>,
          %mul3A_189 = arith.constant 4 : i32
          %mul3A_190 = arith.muli %scan3A_149, %mul3A_189 : i32
          %add3A_191 = arith.constant 1 : i32
          %add3A_192 = arith.addi %mul3A_190, %add3A_191 : i32
          %get3A_193 = arith.index_cast %add3A_192 : i32 to index
          %get3A_194 = arith.constant 0 : index
          %get3A_195 = tpu.vector_load %arg5[%get3A_193, %get3A_194] {strides = array<i32>} : memref<124x128xbf16, #tpu.memory_space<vmem>>, vector<32xbf16>,
          %add3A_196 = arith.addf %get3A_115, %get3A_195 : vector<32xbf16>
          %swap3A_197 = arith.constant 0 : i32
          %swap3A_198 = arith.index_cast %swap3A_197 : i32 to index
          %swap3A_199 = arith.index_cast %add3A_192 : i32 to index
          %swap3A_200 = arith.constant 0 : index
          %swap3A_201 = tpu.vector_load %arg6[%swap3A_198, %swap3A_199, %swap3A_200] {strides = array<i32>} : memref<2x124x128xbf16, #tpu.memory_space<vmem>>, vector<32xbf16>,
          tpu.vector_store %arg6[%swap3A_198, %swap3A_199, %swap3A_200], %add3A_196 {strides = array<i32>} : memref<2x124x128xbf16, #tpu.memory_space<vmem>>, vector<32xbf16>,
          %get3A_202 = arith.index_cast %add3A_192 : i32 to index
          %get3A_203 = arith.constant 32 : index
          %get3A_204 = tpu.vector_load %arg5[%get3A_202, %get3A_203] {strides = array<i32>} : memref<124x128xbf16, #tpu.memory_space<vmem>>, vector<32xbf16>,
          %add3A_205 = arith.addf %get3A_118, %get3A_204 : vector<32xbf16>
          %swap3A_206 = arith.constant 0 : i32
          %swap3A_207 = arith.index_cast %swap3A_206 : i32 to index
          %swap3A_208 = arith.index_cast %add3A_192 : i32 to index
          %swap3A_209 = arith.constant 32 : index
          %swap3A_210 = tpu.vector_load %arg6[%swap3A_207, %swap3A_208, %swap3A_209] {strides = array<i32>} : memref<2x124x128xbf16, #tpu.memory_space<vmem>>, vector<32xbf16>,
          tpu.vector_store %arg6[%swap3A_207, %swap3A_208, %swap3A_209], %add3A_205 {strides = array<i32>} : memref<2x124x128xbf16, #tpu.memory_space<vmem>>, vector<32xbf16>,
          %get3A_211 = arith.index_cast %add3A_192 : i32 to index
          %get3A_212 = arith.constant 64 : index
          %get3A_213 = tpu.vector_load %arg5[%get3A_211, %get3A_212] {strides = array<i32>} : memref<124x128xbf16, #tpu.memory_space<vmem>>, vector<32xbf16>,
          %add3A_214 = arith.addf %get3A_121, %get3A_213 : vector<32xbf16>
          %swap3A_215 = arith.constant 0 : i32
          %swap3A_216 = arith.index_cast %swap3A_215 : i32 to index
          %swap3A_217 = arith.index_cast %add3A_192 : i32 to index
          %swap3A_218 = arith.constant 64 : index
          %swap3A_219 = tpu.vector_load %arg6[%swap3A_216, %swap3A_217, %swap3A_218] {strides = array<i32>} : memref<2x124x128xbf16, #tpu.memory_space<vmem>>, vector<32xbf16>,
          tpu.vector_store %arg6[%swap3A_216, %swap3A_217, %swap3A_218], %add3A_214 {strides = array<i32>} : memref<2x124x128xbf16, #tpu.memory_space<vmem>>, vector<32xbf16>,
          %get3A_220 = arith.index_cast %add3A_192 : i32 to index
          %get3A_221 = arith.constant 96 : index
          %get3A_222 = tpu.vector_load %arg5[%get3A_220, %get3A_221] {strides = array<i32>} : memref<124x128xbf16, #tpu.memory_space<vmem>>, vector<32xbf16>,
          %add3A_223 = arith.addf %get3A_124, %get3A_222 : vector<32xbf16>
          %swap3A_224 = arith.constant 0 : i32
          %swap3A_225 = arith.index_cast %swap3A_224 : i32 to index
          %swap3A_226 = arith.index_cast %add3A_192 : i32 to index
          %swap3A_227 = arith.constant 96 : index
          %swap3A_228 = tpu.vector_load %arg6[%swap3A_225, %swap3A_226, %swap3A_227] {strides = array<i32>} : memref<2x124x128xbf16, #tpu.memory_space<vmem>>, vector<32xbf16>,
          tpu.vector_store %arg6[%swap3A_225, %swap3A_226, %swap3A_227], %add3A_223 {strides = array<i32>} : memref<2x124x128xbf16, #tpu.memory_space<vmem>>, vector<32xbf16>,
          %mul3A_229 = arith.constant 4 : i32
          %mul3A_230 = arith.muli %scan3A_149, %mul3A_229 : i32
          %add3A_231 = arith.constant 2 : i32
          %add3A_232 = arith.addi %mul3A_230, %add3A_231 : i32
          %get3A_233 = arith.index_cast %add3A_232 : i32 to index
          %get3A_234 = arith.constant 0 : index
          %get3A_235 = tpu.vector_load %arg5[%get3A_233, %get3A_234] {strides = array<i32>} : memref<124x128xbf16, #tpu.memory_space<vmem>>, vector<32xbf16>,
          %add3A_236 = arith.addf %get3A_115, %get3A_235 : vector<32xbf16>
          %swap3A_237 = arith.constant 0 : i32
          %swap3A_238 = arith.index_cast %swap3A_237 : i32 to index
          %swap3A_239 = arith.index_cast %add3A_232 : i32 to index
          %swap3A_240 = arith.constant 0 : index
          %swap3A_241 = tpu.vector_load %arg6[%swap3A_238, %swap3A_239, %swap3A_240] {strides = array<i32>} : memref<2x124x128xbf16, #tpu.memory_space<vmem>>, vector<32xbf16>,
          tpu.vector_store %arg6[%swap3A_238, %swap3A_239, %swap3A_240], %add3A_236 {strides = array<i32>} : memref<2x124x128xbf16, #tpu.memory_space<vmem>>, vector<32xbf16>,
          %get3A_242 = arith.index_cast %add3A_232 : i32 to index
          %get3A_243 = arith.constant 32 : index
          %get3A_244 = tpu.vector_load %arg5[%get3A_242, %get3A_243] {strides = array<i32>} : memref<124x128xbf16, #tpu.memory_space<vmem>>, vector<32xbf16>,
          %add3A_245 = arith.addf %get3A_118, %get3A_244 : vector<32xbf16>
          %swap3A_246 = arith.constant 0 : i32
          %swap3A_247 = arith.index_cast %swap3A_246 : i32 to index
          %swap3A_248 = arith.index_cast %add3A_232 : i32 to index
          %swap3A_249 = arith.constant 32 : index
          %swap3A_250 = tpu.vector_load %arg6[%swap3A_247, %swap3A_248, %swap3A_249] {strides = array<i32>} : memref<2x124x128xbf16, #tpu.memory_space<vmem>>, vector<32xbf16>,
          tpu.vector_store %arg6[%swap3A_247, %swap3A_248, %swap3A_249], %add3A_245 {strides = array<i32>} : memref<2x124x128xbf16, #tpu.memory_space<vmem>>, vector<32xbf16>,
          %get3A_251 = arith.index_cast %add3A_232 : i32 to index
          %get3A_252 = arith.constant 64 : index
          %get3A_253 = tpu.vector_load %arg5[%get3A_251, %get3A_252] {strides = array<i32>} : memref<124x128xbf16, #tpu.memory_space<vmem>>, vector<32xbf16>,
          %add3A_254 = arith.addf %get3A_121, %get3A_253 : vector<32xbf16>
          %swap3A_255 = arith.constant 0 : i32
          %swap3A_256 = arith.index_cast %swap3A_255 : i32 to index
          %swap3A_257 = arith.index_cast %add3A_232 : i32 to index
          %swap3A_258 = arith.constant 64 : index
          %swap3A_259 = tpu.vector_load %arg6[%swap3A_256, %swap3A_257, %swap3A_258] {strides = array<i32>} : memref<2x124x128xbf16, #tpu.memory_space<vmem>>, vector<32xbf16>,
          tpu.vector_store %arg6[%swap3A_256, %swap3A_257, %swap3A_258], %add3A_254 {strides = array<i32>} : memref<2x124x128xbf16, #tpu.memory_space<vmem>>, vector<32xbf16>,
          %get3A_260 = arith.index_cast %add3A_232 : i32 to index
          %get3A_261 = arith.constant 96 : index
          %get3A_262 = tpu.vector_load %arg5[%get3A_260, %get3A_261] {strides = array<i32>} : memref<124x128xbf16, #tpu.memory_space<vmem>>, vector<32xbf16>,
          %add3A_263 = arith.addf %get3A_124, %get3A_262 : vector<32xbf16>
          %swap3A_264 = arith.constant 0 : i32
          %swap3A_265 = arith.index_cast %swap3A_264 : i32 to index
          %swap3A_266 = arith.index_cast %add3A_232 : i32 to index
          %swap3A_267 = arith.constant 96 : index
          %swap3A_268 = tpu.vector_load %arg6[%swap3A_265, %swap3A_266, %swap3A_267] {strides = array<i32>} : memref<2x124x128xbf16, #tpu.memory_space<vmem>>, vector<32xbf16>,
          tpu.vector_store %arg6[%swap3A_265, %swap3A_266, %swap3A_267], %add3A_263 {strides = array<i32>} : memref<2x124x128xbf16, #tpu.memory_space<vmem>>, vector<32xbf16>,
          %mul3A_269 = arith.constant 4 : i32
          %mul3A_270 = arith.muli %scan3A_149, %mul3A_269 : i32
          %add3A_271 = arith.constant 3 : i32
          %add3A_272 = arith.addi %mul3A_270, %add3A_271 : i32
          %get3A_273 = arith.index_cast %add3A_272 : i32 to index
          %get3A_274 = arith.constant 0 : index
          %get3A_275 = tpu.vector_load %arg5[%get3A_273, %get3A_274] {strides = array<i32>} : memref<124x128xbf16, #tpu.memory_space<vmem>>, vector<32xbf16>,
          %add3A_276 = arith.addf %get3A_115, %get3A_275 : vector<32xbf16>
          %swap3A_277 = arith.constant 0 : i32
          %swap3A_278 = arith.index_cast %swap3A_277 : i32 to index
          %swap3A_279 = arith.index_cast %add3A_272 : i32 to index
          %swap3A_280 = arith.constant 0 : index
          %swap3A_281 = tpu.vector_load %arg6[%swap3A_278, %swap3A_279, %swap3A_280] {strides = array<i32>} : memref<2x124x128xbf16, #tpu.memory_space<vmem>>, vector<32xbf16>,
          tpu.vector_store %arg6[%swap3A_278, %swap3A_279, %swap3A_280], %add3A_276 {strides = array<i32>} : memref<2x124x128xbf16, #tpu.memory_space<vmem>>, vector<32xbf16>,
          %get3A_282 = arith.index_cast %add3A_272 : i32 to index
          %get3A_283 = arith.constant 32 : index
          %get3A_284 = tpu.vector_load %arg5[%get3A_282, %get3A_283] {strides = array<i32>} : memref<124x128xbf16, #tpu.memory_space<vmem>>, vector<32xbf16>,
          %add3A_285 = arith.addf %get3A_118, %get3A_284 : vector<32xbf16>
          %swap3A_286 = arith.constant 0 : i32
          %swap3A_287 = arith.index_cast %swap3A_286 : i32 to index
          %swap3A_288 = arith.index_cast %add3A_272 : i32 to index
          %swap3A_289 = arith.constant 32 : index
          %swap3A_290 = tpu.vector_load %arg6[%swap3A_287, %swap3A_288, %swap3A_289] {strides = array<i32>} : memref<2x124x128xbf16, #tpu.memory_space<vmem>>, vector<32xbf16>,
          tpu.vector_store %arg6[%swap3A_287, %swap3A_288, %swap3A_289], %add3A_285 {strides = array<i32>} : memref<2x124x128xbf16, #tpu.memory_space<vmem>>, vector<32xbf16>,
          %get3A_291 = arith.index_cast %add3A_272 : i32 to index
          %get3A_292 = arith.constant 64 : index
          %get3A_293 = tpu.vector_load %arg5[%get3A_291, %get3A_292] {strides = array<i32>} : memref<124x128xbf16, #tpu.memory_space<vmem>>, vector<32xbf16>,
          %add3A_294 = arith.addf %get3A_121, %get3A_293 : vector<32xbf16>
          %swap3A_295 = arith.constant 0 : i32
          %swap3A_296 = arith.index_cast %swap3A_295 : i32 to index
          %swap3A_297 = arith.index_cast %add3A_272 : i32 to index
          %swap3A_298 = arith.constant 64 : index
          %swap3A_299 = tpu.vector_load %arg6[%swap3A_296, %swap3A_297, %swap3A_298] {strides = array<i32>} : memref<2x124x128xbf16, #tpu.memory_space<vmem>>, vector<32xbf16>,
          tpu.vector_store %arg6[%swap3A_296, %swap3A_297, %swap3A_298], %add3A_294 {strides = array<i32>} : memref<2x124x128xbf16, #tpu.memory_space<vmem>>, vector<32xbf16>,
          %get3A_300 = arith.index_cast %add3A_272 : i32 to index
          %get3A_301 = arith.constant 96 : index
          %get3A_302 = tpu.vector_load %arg5[%get3A_300, %get3A_301] {strides = array<i32>} : memref<124x128xbf16, #tpu.memory_space<vmem>>, vector<32xbf16>,
          %add3A_303 = arith.addf %get3A_124, %get3A_302 : vector<32xbf16>
          %swap3A_304 = arith.constant 0 : i32
          %swap3A_305 = arith.index_cast %swap3A_304 : i32 to index
          %swap3A_306 = arith.index_cast %add3A_272 : i32 to index
          %swap3A_307 = arith.constant 96 : index
          %swap3A_308 = tpu.vector_load %arg6[%swap3A_305, %swap3A_306, %swap3A_307] {strides = array<i32>} : memref<2x124x128xbf16, #tpu.memory_space<vmem>>, vector<32xbf16>,
          tpu.vector_store %arg6[%swap3A_305, %swap3A_306, %swap3A_307], %add3A_303 {strides = array<i32>} : memref<2x124x128xbf16, #tpu.memory_space<vmem>>, vector<32xbf16>,
        }
        %scan3A_130 = arith.constant 31 : i32
        %mul3A_131 = arith.constant 15376 : i32
        %mul3A_132 = arith.muli %select_n3A, %mul3A_131 : i32
        %add3A_133 = arith.addi %mul3A_32, %add3A_88 : i32
        %mul3A_134 = arith.constant 124 : i32
        %mul3A_135 = arith.muli %add3A_133, %mul3A_134 : i32
        %add3A_136 = arith.addi %mul3A_132, %mul3A_135 : i32
        %dma_start3A = arith.constant 0 : i32
        %dma_start3A_137 = arith.constant 0 : i32
        %dma_start3A_138 = arith.constant 0 : i32
        %dma_start3A_139 = tpu.memref_slice %arg6[%dma_start3A, %dma_start3A_137, %dma_start3A_138] : memref<2x124x128xbf16, #tpu.memory_space<vmem>> -> memref<1x124x128xbf16, #tpu.memory_space<vmem>>
        %dma_start3A_140 = tpu.memref_squeeze %dma_start3A_139 : memref<1x124x128xbf16, #tpu.memory_space<vmem>> -> memref<124x128xbf16, #tpu.memory_space<vmem>>
        %dma_start3A_141 = arith.constant 0 : i32
        %dma_start3A_142 = tpu.memref_slice %arg3[%add3A_136, %dma_start3A_141] : memref<61504x128xbf16, #tpu.memory_space<hbm>> -> memref<124x128xbf16, #tpu.memory_space<hbm>>
        %dma_start3A_143 = arith.constant 0 : i32
        %dma_start3A_144 = tpu.memref_slice %arg3[%add3A_136, %dma_start3A_143] : memref<61504x128xbf16, #tpu.memory_space<hbm>> -> memref<124x128xbf16, #tpu.memory_space<hbm>>
        %dma_start3A_145 = arith.constant 0 : i32
        %dma_start3A_146 = arith.constant 0 : i32
        %dma_start3A_147 = tpu.memref_slice %arg6[%dma_start3A, %dma_start3A_145, %dma_start3A_146] : memref<2x124x128xbf16, #tpu.memory_space<vmem>> -> memref<1x124x128xbf16, #tpu.memory_space<vmem>>
        %dma_start3A_148 = tpu.memref_squeeze %dma_start3A_147 : memref<1x124x128xbf16, #tpu.memory_space<vmem>> -> memref<124x128xbf16, #tpu.memory_space<vmem>>
        tpu.enqueue_dma source(%dma_start3A_148 : memref<124x128xbf16, #tpu.memory_space<vmem>>) target(%dma_start3A_144 : memref<124x128xbf16, #tpu.memory_space<hbm>>) target_semaphore(%arg7 : memref<!tpu.dma_semaphore, #tpu.memory_space<semaphore_mem>>)
      } else {
      }
      %mul3A_99 = arith.constant 2 : i32
      %mul3A_100 = arith.muli %scan3A_84, %mul3A_99 : i32
      %add3A_101 = arith.constant 1 : i32
      %add3A_102 = arith.addi %mul3A_100, %add3A_101 : i32
      %ge3A_103 = arith.constant 2 : i32
      %ge3A_104 = arith.cmpi sge, %add3A_102, %ge3A_103 : i32
      %lt3A_105 = arith.cmpi slt, %add3A_102, %select_n3A_37 : i32
      %and3A_106 = arith.andi %ge3A_104, %lt3A_105 : i1
      %convert_element_type3A_107 = arith.extui %and3A_106 : i1 to i32
      %cond3A_108 = arith.constant 0 : i32
      %cond3A_109 = arith.cmpi ne, %convert_element_type3A_107, %cond3A_108 : i32
      scf.if %cond3A_109 {
        %dma_wait3A_114 = arith.constant 1 : i32
        %dma_wait3A_115 = arith.constant 0 : i32
        %dma_wait3A_116 = arith.constant 0 : i32
        %dma_wait3A_117 = tpu.memref_slice %arg6[%dma_wait3A_114, %dma_wait3A_115, %dma_wait3A_116] : memref<2x124x128xbf16, #tpu.memory_space<vmem>> -> memref<1x124x128xbf16, #tpu.memory_space<vmem>>
        %dma_wait3A_118 = tpu.memref_squeeze %dma_wait3A_117 : memref<1x124x128xbf16, #tpu.memory_space<vmem>> -> memref<124x128xbf16, #tpu.memory_space<vmem>>
        %dma_wait3A_119 = arith.constant 0 : i32
        %dma_wait3A_120 = arith.constant 0 : i32
        %dma_wait3A_121 = tpu.memref_slice %arg3[%dma_wait3A_119, %dma_wait3A_120] : memref<61504x128xbf16, #tpu.memory_space<hbm>> -> memref<124x128xbf16, #tpu.memory_space<hbm>>
        %dma_wait3A_122 = arith.constant 0 : i32
        %dma_wait3A_123 = arith.constant 0 : i32
        %dma_wait3A_124 = tpu.memref_slice %arg3[%dma_wait3A_122, %dma_wait3A_123] : memref<61504x128xbf16, #tpu.memory_space<hbm>> -> memref<124x128xbf16, #tpu.memory_space<hbm>>
        %dma_wait3A_125 = arith.constant 0 : i32
        %dma_wait3A_126 = arith.constant 0 : i32
        %dma_wait3A_127 = tpu.memref_slice %arg6[%dma_wait3A_114, %dma_wait3A_125, %dma_wait3A_126] : memref<2x124x128xbf16, #tpu.memory_space<vmem>> -> memref<1x124x128xbf16, #tpu.memory_space<vmem>>
        %dma_wait3A_128 = tpu.memref_squeeze %dma_wait3A_127 : memref<1x124x128xbf16, #tpu.memory_space<vmem>> -> memref<124x128xbf16, #tpu.memory_space<vmem>>
        tpu.wait_dma2 semaphore(%arg8 : memref<!tpu.dma_semaphore, #tpu.memory_space<semaphore_mem>>) src(%dma_wait3A_128 : memref<124x128xbf16, #tpu.memory_space<vmem>>) dst(%dma_wait3A_124 : memref<124x128xbf16, #tpu.memory_space<hbm>>)
      } else {
      }
      %lt3A_110 = arith.cmpi slt, %add3A_102, %select_n3A_37 : i32
      %convert_element_type3A_111 = arith.extui %lt3A_110 : i1 to i32
      %cond3A_112 = arith.constant 0 : i32
      %cond3A_113 = arith.cmpi ne, %convert_element_type3A_111, %cond3A_112 : i32
      scf.if %cond3A_113 {
        %get3A = arith.index_cast %add3A_102 : i32 to index
        %get3A_114 = arith.constant 0 : index
        %get3A_115 = tpu.vector_load %arg4[%get3A, %get3A_114] {strides = array<i32>} : memref<16x128xbf16, #tpu.memory_space<vmem>>, vector<32xbf16>,
        %get3A_116 = arith.index_cast %add3A_102 : i32 to index
        %get3A_117 = arith.constant 32 : index
        %get3A_118 = tpu.vector_load %arg4[%get3A_116, %get3A_117] {strides = array<i32>} : memref<16x128xbf16, #tpu.memory_space<vmem>>, vector<32xbf16>,
        %get3A_119 = arith.index_cast %add3A_102 : i32 to index
        %get3A_120 = arith.constant 64 : index
        %get3A_121 = tpu.vector_load %arg4[%get3A_119, %get3A_120] {strides = array<i32>} : memref<16x128xbf16, #tpu.memory_space<vmem>>, vector<32xbf16>,
        %get3A_122 = arith.index_cast %add3A_102 : i32 to index
        %get3A_123 = arith.constant 96 : index
        %get3A_124 = tpu.vector_load %arg4[%get3A_122, %get3A_123] {strides = array<i32>} : memref<16x128xbf16, #tpu.memory_space<vmem>>, vector<32xbf16>,
        %scan3A_125 = arith.constant 0 : i32
        %scan3A_126 = arith.constant 0 : i32
        %scan3A_127 = arith.constant 31 : i32
        %scan3A_128 = arith.addi %scan3A_126, %scan3A_127 : i32
        %scan3A_129 = arith.constant 1 : i32
        scf.for %scan3A_149 = %scan3A_126 to %scan3A_128 step %scan3A_129  : i32 {
          %mul3A_150 = arith.constant 4 : i32
          %mul3A_151 = arith.muli %scan3A_149, %mul3A_150 : i32
          %add3A_152 = arith.constant 0 : i32
          %add3A_153 = arith.addi %mul3A_151, %add3A_152 : i32
          %get3A_154 = arith.index_cast %add3A_153 : i32 to index
          %get3A_155 = arith.constant 0 : index
          %get3A_156 = tpu.vector_load %arg5[%get3A_154, %get3A_155] {strides = array<i32>} : memref<124x128xbf16, #tpu.memory_space<vmem>>, vector<32xbf16>,
          %add3A_157 = arith.addf %get3A_115, %get3A_156 : vector<32xbf16>
          %swap3A = arith.constant 1 : i32
          %swap3A_158 = arith.index_cast %swap3A : i32 to index
          %swap3A_159 = arith.index_cast %add3A_153 : i32 to index
          %swap3A_160 = arith.constant 0 : index
          %swap3A_161 = tpu.vector_load %arg6[%swap3A_158, %swap3A_159, %swap3A_160] {strides = array<i32>} : memref<2x124x128xbf16, #tpu.memory_space<vmem>>, vector<32xbf16>,
          tpu.vector_store %arg6[%swap3A_158, %swap3A_159, %swap3A_160], %add3A_157 {strides = array<i32>} : memref<2x124x128xbf16, #tpu.memory_space<vmem>>, vector<32xbf16>,
          %get3A_162 = arith.index_cast %add3A_153 : i32 to index
          %get3A_163 = arith.constant 32 : index
          %get3A_164 = tpu.vector_load %arg5[%get3A_162, %get3A_163] {strides = array<i32>} : memref<124x128xbf16, #tpu.memory_space<vmem>>, vector<32xbf16>,
          %add3A_165 = arith.addf %get3A_118, %get3A_164 : vector<32xbf16>
          %swap3A_166 = arith.constant 1 : i32
          %swap3A_167 = arith.index_cast %swap3A_166 : i32 to index
          %swap3A_168 = arith.index_cast %add3A_153 : i32 to index
          %swap3A_169 = arith.constant 32 : index
          %swap3A_170 = tpu.vector_load %arg6[%swap3A_167, %swap3A_168, %swap3A_169] {strides = array<i32>} : memref<2x124x128xbf16, #tpu.memory_space<vmem>>, vector<32xbf16>,
          tpu.vector_store %arg6[%swap3A_167, %swap3A_168, %swap3A_169], %add3A_165 {strides = array<i32>} : memref<2x124x128xbf16, #tpu.memory_space<vmem>>, vector<32xbf16>,
          %get3A_171 = arith.index_cast %add3A_153 : i32 to index
          %get3A_172 = arith.constant 64 : index
          %get3A_173 = tpu.vector_load %arg5[%get3A_171, %get3A_172] {strides = array<i32>} : memref<124x128xbf16, #tpu.memory_space<vmem>>, vector<32xbf16>,
          %add3A_174 = arith.addf %get3A_121, %get3A_173 : vector<32xbf16>
          %swap3A_175 = arith.constant 1 : i32
          %swap3A_176 = arith.index_cast %swap3A_175 : i32 to index
          %swap3A_177 = arith.index_cast %add3A_153 : i32 to index
          %swap3A_178 = arith.constant 64 : index
          %swap3A_179 = tpu.vector_load %arg6[%swap3A_176, %swap3A_177, %swap3A_178] {strides = array<i32>} : memref<2x124x128xbf16, #tpu.memory_space<vmem>>, vector<32xbf16>,
          tpu.vector_store %arg6[%swap3A_176, %swap3A_177, %swap3A_178], %add3A_174 {strides = array<i32>} : memref<2x124x128xbf16, #tpu.memory_space<vmem>>, vector<32xbf16>,
          %get3A_180 = arith.index_cast %add3A_153 : i32 to index
          %get3A_181 = arith.constant 96 : index
          %get3A_182 = tpu.vector_load %arg5[%get3A_180, %get3A_181] {strides = array<i32>} : memref<124x128xbf16, #tpu.memory_space<vmem>>, vector<32xbf16>,
          %add3A_183 = arith.addf %get3A_124, %get3A_182 : vector<32xbf16>
          %swap3A_184 = arith.constant 1 : i32
          %swap3A_185 = arith.index_cast %swap3A_184 : i32 to index
          %swap3A_186 = arith.index_cast %add3A_153 : i32 to index
          %swap3A_187 = arith.constant 96 : index
          %swap3A_188 = tpu.vector_load %arg6[%swap3A_185, %swap3A_186, %swap3A_187] {strides = array<i32>} : memref<2x124x128xbf16, #tpu.memory_space<vmem>>, vector<32xbf16>,
          tpu.vector_store %arg6[%swap3A_185, %swap3A_186, %swap3A_187], %add3A_183 {strides = array<i32>} : memref<2x124x128xbf16, #tpu.memory_space<vmem>>, vector<32xbf16>,
          %mul3A_189 = arith.constant 4 : i32
          %mul3A_190 = arith.muli %scan3A_149, %mul3A_189 : i32
          %add3A_191 = arith.constant 1 : i32
          %add3A_192 = arith.addi %mul3A_190, %add3A_191 : i32
          %get3A_193 = arith.index_cast %add3A_192 : i32 to index
          %get3A_194 = arith.constant 0 : index
          %get3A_195 = tpu.vector_load %arg5[%get3A_193, %get3A_194] {strides = array<i32>} : memref<124x128xbf16, #tpu.memory_space<vmem>>, vector<32xbf16>,
          %add3A_196 = arith.addf %get3A_115, %get3A_195 : vector<32xbf16>
          %swap3A_197 = arith.constant 1 : i32
          %swap3A_198 = arith.index_cast %swap3A_197 : i32 to index
          %swap3A_199 = arith.index_cast %add3A_192 : i32 to index
          %swap3A_200 = arith.constant 0 : index
          %swap3A_201 = tpu.vector_load %arg6[%swap3A_198, %swap3A_199, %swap3A_200] {strides = array<i32>} : memref<2x124x128xbf16, #tpu.memory_space<vmem>>, vector<32xbf16>,
          tpu.vector_store %arg6[%swap3A_198, %swap3A_199, %swap3A_200], %add3A_196 {strides = array<i32>} : memref<2x124x128xbf16, #tpu.memory_space<vmem>>, vector<32xbf16>,
          %get3A_202 = arith.index_cast %add3A_192 : i32 to index
          %get3A_203 = arith.constant 32 : index
          %get3A_204 = tpu.vector_load %arg5[%get3A_202, %get3A_203] {strides = array<i32>} : memref<124x128xbf16, #tpu.memory_space<vmem>>, vector<32xbf16>,
          %add3A_205 = arith.addf %get3A_118, %get3A_204 : vector<32xbf16>
          %swap3A_206 = arith.constant 1 : i32
          %swap3A_207 = arith.index_cast %swap3A_206 : i32 to index
          %swap3A_208 = arith.index_cast %add3A_192 : i32 to index
          %swap3A_209 = arith.constant 32 : index
          %swap3A_210 = tpu.vector_load %arg6[%swap3A_207, %swap3A_208, %swap3A_209] {strides = array<i32>} : memref<2x124x128xbf16, #tpu.memory_space<vmem>>, vector<32xbf16>,
          tpu.vector_store %arg6[%swap3A_207, %swap3A_208, %swap3A_209], %add3A_205 {strides = array<i32>} : memref<2x124x128xbf16, #tpu.memory_space<vmem>>, vector<32xbf16>,
          %get3A_211 = arith.index_cast %add3A_192 : i32 to index
          %get3A_212 = arith.constant 64 : index
          %get3A_213 = tpu.vector_load %arg5[%get3A_211, %get3A_212] {strides = array<i32>} : memref<124x128xbf16, #tpu.memory_space<vmem>>, vector<32xbf16>,
          %add3A_214 = arith.addf %get3A_121, %get3A_213 : vector<32xbf16>
          %swap3A_215 = arith.constant 1 : i32
          %swap3A_216 = arith.index_cast %swap3A_215 : i32 to index
          %swap3A_217 = arith.index_cast %add3A_192 : i32 to index
          %swap3A_218 = arith.constant 64 : index
          %swap3A_219 = tpu.vector_load %arg6[%swap3A_216, %swap3A_217, %swap3A_218] {strides = array<i32>} : memref<2x124x128xbf16, #tpu.memory_space<vmem>>, vector<32xbf16>,
          tpu.vector_store %arg6[%swap3A_216, %swap3A_217, %swap3A_218], %add3A_214 {strides = array<i32>} : memref<2x124x128xbf16, #tpu.memory_space<vmem>>, vector<32xbf16>,
          %get3A_220 = arith.index_cast %add3A_192 : i32 to index
          %get3A_221 = arith.constant 96 : index
          %get3A_222 = tpu.vector_load %arg5[%get3A_220, %get3A_221] {strides = array<i32>} : memref<124x128xbf16, #tpu.memory_space<vmem>>, vector<32xbf16>,
          %add3A_223 = arith.addf %get3A_124, %get3A_222 : vector<32xbf16>
          %swap3A_224 = arith.constant 1 : i32
          %swap3A_225 = arith.index_cast %swap3A_224 : i32 to index
          %swap3A_226 = arith.index_cast %add3A_192 : i32 to index
          %swap3A_227 = arith.constant 96 : index
          %swap3A_228 = tpu.vector_load %arg6[%swap3A_225, %swap3A_226, %swap3A_227] {strides = array<i32>} : memref<2x124x128xbf16, #tpu.memory_space<vmem>>, vector<32xbf16>,
          tpu.vector_store %arg6[%swap3A_225, %swap3A_226, %swap3A_227], %add3A_223 {strides = array<i32>} : memref<2x124x128xbf16, #tpu.memory_space<vmem>>, vector<32xbf16>,
          %mul3A_229 = arith.constant 4 : i32
          %mul3A_230 = arith.muli %scan3A_149, %mul3A_229 : i32
          %add3A_231 = arith.constant 2 : i32
          %add3A_232 = arith.addi %mul3A_230, %add3A_231 : i32
          %get3A_233 = arith.index_cast %add3A_232 : i32 to index
          %get3A_234 = arith.constant 0 : index
          %get3A_235 = tpu.vector_load %arg5[%get3A_233, %get3A_234] {strides = array<i32>} : memref<124x128xbf16, #tpu.memory_space<vmem>>, vector<32xbf16>,
          %add3A_236 = arith.addf %get3A_115, %get3A_235 : vector<32xbf16>
          %swap3A_237 = arith.constant 1 : i32
          %swap3A_238 = arith.index_cast %swap3A_237 : i32 to index
          %swap3A_239 = arith.index_cast %add3A_232 : i32 to index
          %swap3A_240 = arith.constant 0 : index
          %swap3A_241 = tpu.vector_load %arg6[%swap3A_238, %swap3A_239, %swap3A_240] {strides = array<i32>} : memref<2x124x128xbf16, #tpu.memory_space<vmem>>, vector<32xbf16>,
          tpu.vector_store %arg6[%swap3A_238, %swap3A_239, %swap3A_240], %add3A_236 {strides = array<i32>} : memref<2x124x128xbf16, #tpu.memory_space<vmem>>, vector<32xbf16>,
          %get3A_242 = arith.index_cast %add3A_232 : i32 to index
          %get3A_243 = arith.constant 32 : index
          %get3A_244 = tpu.vector_load %arg5[%get3A_242, %get3A_243] {strides = array<i32>} : memref<124x128xbf16, #tpu.memory_space<vmem>>, vector<32xbf16>,
          %add3A_245 = arith.addf %get3A_118, %get3A_244 : vector<32xbf16>
          %swap3A_246 = arith.constant 1 : i32
          %swap3A_247 = arith.index_cast %swap3A_246 : i32 to index
          %swap3A_248 = arith.index_cast %add3A_232 : i32 to index
          %swap3A_249 = arith.constant 32 : index
          %swap3A_250 = tpu.vector_load %arg6[%swap3A_247, %swap3A_248, %swap3A_249] {strides = array<i32>} : memref<2x124x128xbf16, #tpu.memory_space<vmem>>, vector<32xbf16>,
          tpu.vector_store %arg6[%swap3A_247, %swap3A_248, %swap3A_249], %add3A_245 {strides = array<i32>} : memref<2x124x128xbf16, #tpu.memory_space<vmem>>, vector<32xbf16>,
          %get3A_251 = arith.index_cast %add3A_232 : i32 to index
          %get3A_252 = arith.constant 64 : index
          %get3A_253 = tpu.vector_load %arg5[%get3A_251, %get3A_252] {strides = array<i32>} : memref<124x128xbf16, #tpu.memory_space<vmem>>, vector<32xbf16>,
          %add3A_254 = arith.addf %get3A_121, %get3A_253 : vector<32xbf16>
          %swap3A_255 = arith.constant 1 : i32
          %swap3A_256 = arith.index_cast %swap3A_255 : i32 to index
          %swap3A_257 = arith.index_cast %add3A_232 : i32 to index
          %swap3A_258 = arith.constant 64 : index
          %swap3A_259 = tpu.vector_load %arg6[%swap3A_256, %swap3A_257, %swap3A_258] {strides = array<i32>} : memref<2x124x128xbf16, #tpu.memory_space<vmem>>, vector<32xbf16>,
          tpu.vector_store %arg6[%swap3A_256, %swap3A_257, %swap3A_258], %add3A_254 {strides = array<i32>} : memref<2x124x128xbf16, #tpu.memory_space<vmem>>, vector<32xbf16>,
          %get3A_260 = arith.index_cast %add3A_232 : i32 to index
          %get3A_261 = arith.constant 96 : index
          %get3A_262 = tpu.vector_load %arg5[%get3A_260, %get3A_261] {strides = array<i32>} : memref<124x128xbf16, #tpu.memory_space<vmem>>, vector<32xbf16>,
          %add3A_263 = arith.addf %get3A_124, %get3A_262 : vector<32xbf16>
          %swap3A_264 = arith.constant 1 : i32
          %swap3A_265 = arith.index_cast %swap3A_264 : i32 to index
          %swap3A_266 = arith.index_cast %add3A_232 : i32 to index
          %swap3A_267 = arith.constant 96 : index
          %swap3A_268 = tpu.vector_load %arg6[%swap3A_265, %swap3A_266, %swap3A_267] {strides = array<i32>} : memref<2x124x128xbf16, #tpu.memory_space<vmem>>, vector<32xbf16>,
          tpu.vector_store %arg6[%swap3A_265, %swap3A_266, %swap3A_267], %add3A_263 {strides = array<i32>} : memref<2x124x128xbf16, #tpu.memory_space<vmem>>, vector<32xbf16>,
          %mul3A_269 = arith.constant 4 : i32
          %mul3A_270 = arith.muli %scan3A_149, %mul3A_269 : i32
          %add3A_271 = arith.constant 3 : i32
          %add3A_272 = arith.addi %mul3A_270, %add3A_271 : i32
          %get3A_273 = arith.index_cast %add3A_272 : i32 to index
          %get3A_274 = arith.constant 0 : index
          %get3A_275 = tpu.vector_load %arg5[%get3A_273, %get3A_274] {strides = array<i32>} : memref<124x128xbf16, #tpu.memory_space<vmem>>, vector<32xbf16>,
          %add3A_276 = arith.addf %get3A_115, %get3A_275 : vector<32xbf16>
          %swap3A_277 = arith.constant 1 : i32
          %swap3A_278 = arith.index_cast %swap3A_277 : i32 to index
          %swap3A_279 = arith.index_cast %add3A_272 : i32 to index
          %swap3A_280 = arith.constant 0 : index
          %swap3A_281 = tpu.vector_load %arg6[%swap3A_278, %swap3A_279, %swap3A_280] {strides = array<i32>} : memref<2x124x128xbf16, #tpu.memory_space<vmem>>, vector<32xbf16>,
          tpu.vector_store %arg6[%swap3A_278, %swap3A_279, %swap3A_280], %add3A_276 {strides = array<i32>} : memref<2x124x128xbf16, #tpu.memory_space<vmem>>, vector<32xbf16>,
          %get3A_282 = arith.index_cast %add3A_272 : i32 to index
          %get3A_283 = arith.constant 32 : index
          %get3A_284 = tpu.vector_load %arg5[%get3A_282, %get3A_283] {strides = array<i32>} : memref<124x128xbf16, #tpu.memory_space<vmem>>, vector<32xbf16>,
          %add3A_285 = arith.addf %get3A_118, %get3A_284 : vector<32xbf16>
          %swap3A_286 = arith.constant 1 : i32
          %swap3A_287 = arith.index_cast %swap3A_286 : i32 to index
          %swap3A_288 = arith.index_cast %add3A_272 : i32 to index
          %swap3A_289 = arith.constant 32 : index
          %swap3A_290 = tpu.vector_load %arg6[%swap3A_287, %swap3A_288, %swap3A_289] {strides = array<i32>} : memref<2x124x128xbf16, #tpu.memory_space<vmem>>, vector<32xbf16>,
          tpu.vector_store %arg6[%swap3A_287, %swap3A_288, %swap3A_289], %add3A_285 {strides = array<i32>} : memref<2x124x128xbf16, #tpu.memory_space<vmem>>, vector<32xbf16>,
          %get3A_291 = arith.index_cast %add3A_272 : i32 to index
          %get3A_292 = arith.constant 64 : index
          %get3A_293 = tpu.vector_load %arg5[%get3A_291, %get3A_292] {strides = array<i32>} : memref<124x128xbf16, #tpu.memory_space<vmem>>, vector<32xbf16>,
          %add3A_294 = arith.addf %get3A_121, %get3A_293 : vector<32xbf16>
          %swap3A_295 = arith.constant 1 : i32
          %swap3A_296 = arith.index_cast %swap3A_295 : i32 to index
          %swap3A_297 = arith.index_cast %add3A_272 : i32 to index
          %swap3A_298 = arith.constant 64 : index
          %swap3A_299 = tpu.vector_load %arg6[%swap3A_296, %swap3A_297, %swap3A_298] {strides = array<i32>} : memref<2x124x128xbf16, #tpu.memory_space<vmem>>, vector<32xbf16>,
          tpu.vector_store %arg6[%swap3A_296, %swap3A_297, %swap3A_298], %add3A_294 {strides = array<i32>} : memref<2x124x128xbf16, #tpu.memory_space<vmem>>, vector<32xbf16>,
          %get3A_300 = arith.index_cast %add3A_272 : i32 to index
          %get3A_301 = arith.constant 96 : index
          %get3A_302 = tpu.vector_load %arg5[%get3A_300, %get3A_301] {strides = array<i32>} : memref<124x128xbf16, #tpu.memory_space<vmem>>, vector<32xbf16>,
          %add3A_303 = arith.addf %get3A_124, %get3A_302 : vector<32xbf16>
          %swap3A_304 = arith.constant 1 : i32
          %swap3A_305 = arith.index_cast %swap3A_304 : i32 to index
          %swap3A_306 = arith.index_cast %add3A_272 : i32 to index
          %swap3A_307 = arith.constant 96 : index
          %swap3A_308 = tpu.vector_load %arg6[%swap3A_305, %swap3A_306, %swap3A_307] {strides = array<i32>} : memref<2x124x128xbf16, #tpu.memory_space<vmem>>, vector<32xbf16>,
          tpu.vector_store %arg6[%swap3A_305, %swap3A_306, %swap3A_307], %add3A_303 {strides = array<i32>} : memref<2x124x128xbf16, #tpu.memory_space<vmem>>, vector<32xbf16>,
        }
        %scan3A_130 = arith.constant 31 : i32
        %mul3A_131 = arith.constant 15376 : i32
        %mul3A_132 = arith.muli %select_n3A, %mul3A_131 : i32
        %add3A_133 = arith.addi %mul3A_32, %add3A_102 : i32
        %mul3A_134 = arith.constant 124 : i32
        %mul3A_135 = arith.muli %add3A_133, %mul3A_134 : i32
        %add3A_136 = arith.addi %mul3A_132, %mul3A_135 : i32
        %dma_start3A = arith.constant 1 : i32
        %dma_start3A_137 = arith.constant 0 : i32
        %dma_start3A_138 = arith.constant 0 : i32
        %dma_start3A_139 = tpu.memref_slice %arg6[%dma_start3A, %dma_start3A_137, %dma_start3A_138] : memref<2x124x128xbf16, #tpu.memory_space<vmem>> -> memref<1x124x128xbf16, #tpu.memory_space<vmem>>
        %dma_start3A_140 = tpu.memref_squeeze %dma_start3A_139 : memref<1x124x128xbf16, #tpu.memory_space<vmem>> -> memref<124x128xbf16, #tpu.memory_space<vmem>>
        %dma_start3A_141 = arith.constant 0 : i32
        %dma_start3A_142 = tpu.memref_slice %arg3[%add3A_136, %dma_start3A_141] : memref<61504x128xbf16, #tpu.memory_space<hbm>> -> memref<124x128xbf16, #tpu.memory_space<hbm>>
        %dma_start3A_143 = arith.constant 0 : i32
        %dma_start3A_144 = tpu.memref_slice %arg3[%add3A_136, %dma_start3A_143] : memref<61504x128xbf16, #tpu.memory_space<hbm>> -> memref<124x128xbf16, #tpu.memory_space<hbm>>
        %dma_start3A_145 = arith.constant 0 : i32
        %dma_start3A_146 = arith.constant 0 : i32
        %dma_start3A_147 = tpu.memref_slice %arg6[%dma_start3A, %dma_start3A_145, %dma_start3A_146] : memref<2x124x128xbf16, #tpu.memory_space<vmem>> -> memref<1x124x128xbf16, #tpu.memory_space<vmem>>
        %dma_start3A_148 = tpu.memref_squeeze %dma_start3A_147 : memref<1x124x128xbf16, #tpu.memory_space<vmem>> -> memref<124x128xbf16, #tpu.memory_space<vmem>>
        tpu.enqueue_dma source(%dma_start3A_148 : memref<124x128xbf16, #tpu.memory_space<vmem>>) target(%dma_start3A_144 : memref<124x128xbf16, #tpu.memory_space<hbm>>) target_semaphore(%arg8 : memref<!tpu.dma_semaphore, #tpu.memory_space<semaphore_mem>>)
      } else {
      }
    }
    %scan3A_54 = arith.constant 8 : i32
    %dma_wait3A = arith.constant 0 : i32
    %dma_wait3A_55 = arith.constant 0 : i32
    %dma_wait3A_56 = arith.constant 0 : i32
    %dma_wait3A_57 = tpu.memref_slice %arg6[%dma_wait3A, %dma_wait3A_55, %dma_wait3A_56] : memref<2x124x128xbf16, #tpu.memory_space<vmem>> -> memref<1x124x128xbf16, #tpu.memory_space<vmem>>
    %dma_wait3A_58 = tpu.memref_squeeze %dma_wait3A_57 : memref<1x124x128xbf16, #tpu.memory_space<vmem>> -> memref<124x128xbf16, #tpu.memory_space<vmem>>
    %dma_wait3A_59 = arith.constant 0 : i32
    %dma_wait3A_60 = arith.constant 0 : i32
    %dma_wait3A_61 = tpu.memref_slice %arg3[%dma_wait3A_59, %dma_wait3A_60] : memref<61504x128xbf16, #tpu.memory_space<hbm>> -> memref<124x128xbf16, #tpu.memory_space<hbm>>
    %dma_wait3A_62 = arith.constant 0 : i32
    %dma_wait3A_63 = arith.constant 0 : i32
    %dma_wait3A_64 = tpu.memref_slice %arg3[%dma_wait3A_62, %dma_wait3A_63] : memref<61504x128xbf16, #tpu.memory_space<hbm>> -> memref<124x128xbf16, #tpu.memory_space<hbm>>
    %dma_wait3A_65 = arith.constant 0 : i32
    %dma_wait3A_66 = arith.constant 0 : i32
    %dma_wait3A_67 = tpu.memref_slice %arg6[%dma_wait3A, %dma_wait3A_65, %dma_wait3A_66] : memref<2x124x128xbf16, #tpu.memory_space<vmem>> -> memref<1x124x128xbf16, #tpu.memory_space<vmem>>
    %dma_wait3A_68 = tpu.memref_squeeze %dma_wait3A_67 : memref<1x124x128xbf16, #tpu.memory_space<vmem>> -> memref<124x128xbf16, #tpu.memory_space<vmem>>
    tpu.wait_dma2 semaphore(%arg7 : memref<!tpu.dma_semaphore, #tpu.memory_space<semaphore_mem>>) src(%dma_wait3A_68 : memref<124x128xbf16, #tpu.memory_space<vmem>>) dst(%dma_wait3A_64 : memref<124x128xbf16, #tpu.memory_space<hbm>>)
    %dma_wait3A_69 = arith.constant 1 : i32
    %dma_wait3A_70 = arith.constant 0 : i32
    %dma_wait3A_71 = arith.constant 0 : i32
    %dma_wait3A_72 = tpu.memref_slice %arg6[%dma_wait3A_69, %dma_wait3A_70, %dma_wait3A_71] : memref<2x124x128xbf16, #tpu.memory_space<vmem>> -> memref<1x124x128xbf16, #tpu.memory_space<vmem>>
    %dma_wait3A_73 = tpu.memref_squeeze %dma_wait3A_72 : memref<1x124x128xbf16, #tpu.memory_space<vmem>> -> memref<124x128xbf16, #tpu.memory_space<vmem>>
    %dma_wait3A_74 = arith.constant 0 : i32
    %dma_wait3A_75 = arith.constant 0 : i32
    %dma_wait3A_76 = tpu.memref_slice %arg3[%dma_wait3A_74, %dma_wait3A_75] : memref<61504x128xbf16, #tpu.memory_space<hbm>> -> memref<124x128xbf16, #tpu.memory_space<hbm>>
    %dma_wait3A_77 = arith.constant 0 : i32
    %dma_wait3A_78 = arith.constant 0 : i32
    %dma_wait3A_79 = tpu.memref_slice %arg3[%dma_wait3A_77, %dma_wait3A_78] : memref<61504x128xbf16, #tpu.memory_space<hbm>> -> memref<124x128xbf16, #tpu.memory_space<hbm>>
    %dma_wait3A_80 = arith.constant 0 : i32
    %dma_wait3A_81 = arith.constant 0 : i32
    %dma_wait3A_82 = tpu.memref_slice %arg6[%dma_wait3A_69, %dma_wait3A_80, %dma_wait3A_81] : memref<2x124x128xbf16, #tpu.memory_space<vmem>> -> memref<1x124x128xbf16, #tpu.memory_space<vmem>>
    %dma_wait3A_83 = tpu.memref_squeeze %dma_wait3A_82 : memref<1x124x128xbf16, #tpu.memory_space<vmem>> -> memref<124x128xbf16, #tpu.memory_space<vmem>>
    tpu.wait_dma2 semaphore(%arg8 : memref<!tpu.dma_semaphore, #tpu.memory_space<semaphore_mem>>) src(%dma_wait3A_83 : memref<124x128xbf16, #tpu.memory_space<vmem>>) dst(%dma_wait3A_79 : memref<124x128xbf16, #tpu.memory_space<hbm>>)
    return
  }
}

</mosaic_0001>

<sc_bundles>
// kernel: _build.3.cloned.1.call-start
scs
__scs_entry_jumppad:
0x0: {  	(pc) =	sbr.rel $0x88, $3  }
0x1: {  	(tag) =	ssettag $0x0;
	lr =	simm.s32 $0x1  }
0x2: {  	[smem:$0x3FA0] =	sst lr;
	_ =	strace $0xD0000000  }
0x3: {  	_ = 	snop  }
0x4: {  	_ = 	snop  }
0x5: {  	_ = 	snop  }
0x6: {  	_ = 	snop  }
0x7: {  	_ = 	snop  }
__scs_overlays_trampoline_lowered:
0x8: {  	[smem:$0x3FAF] =	sst s0  }
0x9: {  	[smem:$0x3FB0] =	sst s1  }
0xa: {  	[smem:$0x3FB1] =	sst s2  }
0xb: {  	[smem:$0x3FB2] =	sst s3  }
0xc: {  	[smem:$0x3FB3] =	sst s4  }
0xd: {  	[smem:$0x3FB4] =	sst s5  }
0xe: {  	[smem:$0x3FB5] =	sst s6  }
0xf: {  	[smem:$0x3FB6] =	sst s7  }
0x10: {  	[smem:$0x3FB7] =	sst s8  }
0x11: {  	[smem:$0x3FB8] =	sst s9;
	s0 =	simm.s32 @!p0 $0x0  }
0x12: {  	s1 =	sld [smem:$0x3F9E];
	s0 =	simm.s32 @p0 $0x1  }
0x13: {  	[smem:$0x3FB9] =	sst s0;
	s0 =	simm.s32 @!p1 $0x0  }
0x14: {  	s2 =	sld [smem:$0x3F9D];
	s0 =	simm.s32 @p1 $0x1  }
0x15: {  	[smem:$0x3FBA] =	sst s0;
	s0 =	simm.s32 @!p2 $0x0  }
0x16: {  	s3 =	sld [smem:$0x3FDB];
	s0 =	simm.s32 @p2 $0x1  }
0x17: {  	s4 =	simm.s32 $0x1BF5;
	[smem:$0x3FBC] =	sst s0  }
0x18: {  	s0 =	sld [smem:$0x3F9F];
	_ =	swait.ge [sflag:s4], $0x0  }
0x19: {  	s7 =	sld [smem:$0x3FA0]  }
0x1a: {  	s8 =	sadd.s32 $0xFFFFE003, lr  }
0x1b: {  	s9 =	sadd.s32 $0xFFFFFEF7, lr;
	s5 =	simm.s32 $0xFFFFFFFF;
	p2 =	slt.u32 s8, $0xFFFFF086  }
0x1c: {  	p1 =	slt.u32 s9, $0xF7A;
	s5 =	simm.s32 @!p2 $0x0  }
0x1d: {  	s5 =	simm.s32 @p1 $0x1;
	p0 =	seq.s32 s7, s2  }
0x1e: {  	s7 =	smul.u32 @!p0 $0xF7A, s2;
	p2 =	seq.s32 @!p0 s5, $0x0  }
0x1f: {  	s9 =	smul.u32 $0xF7A, s1;
	s8 =	simm.s32 @!p0 $0x1BF5;
	p2 =	por !p2, p0  }
0x20: {  	[sflag:s8] =	ssyncset.s32 @!p0 $0xFFFFF086;
	s6 =	sadd.s32 @!p0 s3, s7;
	s7 =	simm.s32 @!p0 $0x108  }
0x21: {  	s3 =	sadd.s32 s3, s9;
	s6 =	sadd.s32 @!p0 $0x88, s6;
	s7 =	simm.s32 @p2 $0x1082  }
0x22: {  	[simem:s7], [sflag:s8] =	dma.local @!p0 [hbm:s6], $0xF7A  }
0x23: {  	s9 =	sor.u32 $0xD0000000, s2;
	s6 =	simm.s32 $0x108;
	_ =	swait.ge @!p0 [sflag:s8], $0x0  }
0x24: {  	s3 =	sadd.s32 $0x88, s3;
	s6 =	simm.s32 @!p1 $0x1082;
	[sflag:s4] =	ssyncset.s32 $0xFFFFF086  }
0x25: {  	[simem:s6], [sflag:s4] =	dma.local [hbm:s3], $0xF7A  }
0x26: {  	[smem:$0x3FA0] =	sst s1;
	(tag) =	ssettag s2;
	_ =	strace s9  }
0x27: {  	s1 =	sld [smem:$0x3FB0]  }
0x28: {  	s2 =	sld [smem:$0x3FB1]  }
0x29: {  	s4 =	sld [smem:$0x3FB3]  }
0x2a: {  	p0 =	seq.s32 s5, $0x0;
	s5 =	sld [smem:$0x3FB4]  }
0x2b: {  	s6 =	sld [smem:$0x3FB5]  }
0x2c: {  	s7 =	sld [smem:$0x3FB6]  }
0x2d: {  	s3 =	simm.s32 $0x108;
	s8 =	sld [smem:$0x3FB7]  }
0x2e: {  	s3 =	simm.s32 @!p0 $0x1082;
	s9 =	sld [smem:$0x3FB8]  }
0x2f: {  	lr =	sadd.s32 s0, s3;
	s0 =	sld [smem:$0x3FAF]  }
0x30: {  	s3 =	sld [smem:$0x3FB2]  }
0x31: {  	[smem:$0x3FBB] =	sst s10  }
0x32: {  	s10 =	sld [smem:$0x3FB9];
	_ =	sdelay $0x3  }
0x33: {  	p0 =	seq.s32 s10, $0x1;
	s10 =	sld [smem:$0x3FBB];
	_ =	sdelay $0x3  }
0x34: {  	[smem:$0x3FBB] =	sst s10  }
0x35: {  	s10 =	sld [smem:$0x3FBA];
	_ =	sdelay $0x3  }
0x36: {  	p1 =	seq.s32 s10, $0x1;
	s10 =	sld [smem:$0x3FBB];
	_ =	sdelay $0x3  }
0x37: {  	[smem:$0x3FBB] =	sst s10  }
0x38: {  	s10 =	sld [smem:$0x3FBC]  }
0x39: {  	_ = 	snop;
	(pc) =	sbr.ind lr, $3  }
0x3a: {  	_ = 	snop  }
0x3b: {  	_ = 	snop  }
0x3c: {  	p2 =	seq.s32 s10, $0x1;
	s10 =	sld [smem:$0x3FBB]  }
0x3d: {  	_ =	shalt  }
0x3e: {  	_ =	shalt  }
0x3f: {  	_ =	shalt  }
0x40: {  	_ =	shalt  }
0x41: {  	_ =	shalt  }
0x42: {  	_ =	shalt  }
0x43: {  	_ =	shalt  }
0x44: {  	_ =	shalt  }
0x45: {  	_ =	shalt  }
0x46: {  	_ =	shalt  }
0x47: {  	_ =	shalt  }
0x48: {  	_ =	shalt  }
0x49: {  	_ =	shalt  }
0x4a: {  	_ =	shalt  }
0x4b: {  	_ =	shalt  }
0x4c: {  	_ =	shalt  }
0x4d: {  	_ =	shalt  }
0x4e: {  	_ =	shalt  }
0x4f: {  	_ =	shalt  }
0x50: {  	_ =	shalt  }
0x51: {  	_ =	shalt  }
0x52: {  	_ =	shalt  }
0x53: {  	_ =	shalt  }
0x54: {  	_ =	shalt  }
0x55: {  	_ =	shalt  }
0x56: {  	_ =	shalt  }
0x57: {  	_ =	shalt  }
0x58: {  	_ =	shalt  }
0x59: {  	_ =	shalt  }
0x5a: {  	_ =	shalt  }
0x5b: {  	_ =	shalt  }
0x5c: {  	_ =	shalt  }
0x5d: {  	_ =	shalt  }
0x5e: {  	_ =	shalt  }
0x5f: {  	_ =	shalt  }
0x60: {  	_ =	shalt  }
0x61: {  	_ =	shalt  }
0x62: {  	_ =	shalt  }
0x63: {  	_ =	shalt  }
0x64: {  	_ =	shalt  }
0x65: {  	_ =	shalt  }
0x66: {  	_ =	shalt  }
0x67: {  	_ =	shalt  }
0x68: {  	_ =	shalt  }
0x69: {  	_ =	shalt  }
0x6a: {  	_ =	shalt  }
0x6b: {  	_ =	shalt  }
0x6c: {  	_ =	shalt  }
0x6d: {  	_ =	shalt  }
0x6e: {  	_ =	shalt  }
0x6f: {  	_ =	shalt  }
0x70: {  	_ =	shalt  }
0x71: {  	_ =	shalt  }
0x72: {  	_ =	shalt  }
0x73: {  	_ =	shalt  }
0x74: {  	_ =	shalt  }
0x75: {  	_ =	shalt  }
0x76: {  	_ =	shalt  }
0x77: {  	_ =	shalt  }
0x78: {  	_ =	shalt  }
0x79: {  	_ =	shalt  }
0x7a: {  	_ =	shalt  }
0x7b: {  	_ =	shalt  }
0x7c: {  	_ =	shalt  }
0x7d: {  	_ =	shalt  }
0x7e: {  	_ =	shalt  }
0x7f: {  	_ =	shalt  }
0x80: {  	_ =	shalt  }
0x81: {  	_ =	shalt  }
0x82: {  	_ =	shalt  }
0x83: {  	_ =	shalt  }
0x84: {  	_ =	shalt  }
0x85: {  	_ =	shalt  }
0x86: {  	_ =	shalt  }
0x87: {  	_ =	shalt  }
.Lfunc_end0:
.L_simem_size_0:
called_computation_lowered:
.L_overlay_start_0:
0x88: {  	s2 =	sld [smem:$0x3FD9]  }
0x89: {  	s3 =	sld [smem:$0x3FFE];
	_ =	sdelay $0x1  }
0x8a: {  	s1 =	srdreg.scid  }
0x8b: {  	s0 =	sand.u32 $0x1, s1  }
0x8c: {  	s17 =	sshll.u32 s0, $0xA;
	s2 =	sadd.s32 s3, s2  }
0x8d: {  	s2 =	sadd.s32 s2, s17  }
0x8e: {  	[smem:$0x3FC7] =	sst s2  }
0x8f: {  	_ = 	snop  }
0x90: {  	s2 =	sld [smem:$0x3FD0];
	(tm) =	ssettm $0x1  }
0x91: {  	s18 =	sld [smem:$0x3FFB];
	_ =	sdelay $0x3  }
0x92: {  	_ =	strace s18  }
0x93: {  	s3 =	sld [smem:$0x3FFC];
	_ =	sdelay $0x3  }
0x94: {  	_ =	strace s3  }
0x95: {  	s3 =	sld [smem:$0x3FFD];
	_ =	sdelay $0x3  }
0x96: {  	_ =	strace s3  }
0x97: {  	_ =	strace $0x8FFFFFFF  }
0x98: {  	s19 =	sld [smem:$0x3FDB];
	_ =	sdelay $0x1  }
0x99: {  	s4 =	simm.s32 $_scs_section_size  }
0x9a: {  	s5 =	simm.s32 $_size__tile_overlayer_lowered;
	s6 =	simm.s32 $_tile_overlayer_lowered  }
0x9b: {  	s22 =	simm.s32 $0x1BFF;
	s21 =	sshll.u32 s6, $0x1;
	s3 =	sadd.s32 s4, s19  }
0x9c: {  	s7 =	simm.s32 $0x0;
	s20 =	sshll.u32 s5, $0x1;
	s5 =	sadd.s32 s21, s3  }
0x9d: {  	[timem:s7], [sflag:s22] =	dma.local [hbm:s5], s20  }
0x9e: {  	_ =	swait.ge [sflag:s22], s20  }
0x9f: {  	s4 =	ssub.s32 $0x0, s20;
	[sflag:s22] =	ssyncset.done $0x0  }
0xa0: {  	[sflag:s22] =	ssyncadd.s32 s4;
	_ =	sdelay $0x1  }
0xa1: {  	s23 =	simm.s32 $0x1B8B  }
0xa2: {  	_ =	swait.ge [sflag:s23], $0x1  }
0xa3: {  	[sflag:s23] =	ssyncset.done $0x0  }
0xa4: {  	s25 =	simm.s32 $0x1B8E;
	s24 =	sld [smem:$0x3FFE];
	[sflag:s23] =	ssyncadd.s32 $0xFFFFFFFF  }
0xa5: {  	s26 =	simm.s32 $execute0_lowered;
	[smem:$0x3FD2] =	sst s25  }
0xa6: {  	s5 =	sshll.u32 s26, $0x1;
	_ =	strace $0x80000046;
	[dreg:$0x1] =	wrdreg $0xFFFFFFFF  }
0xa7: {  	s28 =	simm.s32 $_size_execute0_lowered;
	s3 =	sadd.s32 s3, s5;
	[dreg:$0x0] =	wrdreg $0x0  }
0xa8: {  	s5 =	sshll.u32 s28, $0x1;
	[dreg:$0x2] =	wrdreg s3  }
0xa9: {  	[dreg:$0x3] =	wrdreg s5  }
0xaa: {  	[dreg:$0x4] =	wrdreg $0xC0  }
0xab: {  	_ =	task [dreg:s7], $0x5FFFF  }
0xac: {  	[dreg:$0x1] =	wrdreg $0xFFFFFFFF  }
0xad: {  	[dreg:$0x0] =	wrdreg $0x60  }
0xae: {  	[dreg:$0x2] =	wrdreg s24  }
0xaf: {  	[dreg:$0x3] =	wrdreg s2  }
0xb0: {  	[dreg:$0x4] =	wrdreg $0x9  }
0xb1: {  	_ =	task.clear_ibuf [dreg:s7], $0x5FFFF;
	_ =	strace $0x90000046  }
0xb2: {  	s29 =	simm.s32 $0x9;
	_ =	strace $0x80000048  }
0xb3: {  	_ =	swait.ge [sflag:s29], $0x1  }
0xb4: {  	[sflag:s29] =	ssyncadd.s32 $0xFFFFFFFF  }
0xb5: {  	_ =	strace $0x90000048  }
0xb6: {  	_ =	sfence  }
0xb7: {  	s30 =	sld [smem:$0x0];
	_ =	sdelay $0x2  }
0xb8: {  	s31 =	sshll.u32 s1, $0xD;
	s1 =	sshrl.u32 s1, $0x2  }
0xb9: {  	s3 =	sand.u32 $0x4000, s31;
	s1 =	sadd.s32 s1, s30  }
0xba: {  	s0 =	sor.u32 s3, s0;
	s1 =	sshll.u32 s1, $0x11  }
0xbb: {  	s0 =	sor.u32 s1, s0  }
0xbc: {  	s0 =	sadd.s32 $0x8F2B, s0  }
0xbd: {  	[sflag:s0] =	ssyncadd.remote.s32 $0x1  }
0xbe: {  	_ =	sfence.sel $0xFFFF  }
0xbf: {  	[dreg:$0x0] =	wrdreg $0xFFFFFFFF;
	(pc) =	sbr.abs _section_cstart, $3  }
0xc0: {  	[dreg:$0x1] =	wrdreg $0xFFFFFFFF  }
0xc1: {  	_ =	task.clear_ibuf [dreg:s7], $0x2FFFF;
	_ =	strace $0x9FFFFFFF  }
0xc2: {  	(tm) =	ssettm $0x7FFFFFFF  }
0xc3: {  	_ =	shalt  }
tec
execute0_lowered:
.L_overlay_start_1:
0x0: {  	(tag) =	ssettag $0x1  }
0x1: {  	s4 =	rddreg [dreg:$0x0]  }
0x2: {  	s1 =	rddreg [dreg:$0x1]  }
0x3: {  	s0 =	rddreg [dreg:$0x2];
	s3 =	simm.s32 $0x0  }
0x4: {  	s5 =	srdreg.scid;
	s2 =	stileid.u32;
	s12 =	simm.s32 $0x3  }
0x5: {  	s13 =	simm.s32 $0x2300;
	s14 =	simm.s32 $0x4200;
	s15 =	simm.s32 $0x1  }
0x6: {  	s16 =	simm.s32 $0x2;
	s17 =	simm.s32 $0x0;
	[smem:$0x7FF] =	sst s3  }
0x7: {  	s5 =	sand.u32 $0x1, s5;
	s7 =	sadd.s32 $0x400, s4;
	s6 =	sshll.u32 s2, $0x1  }
0x8: {  	s9 =	sshrl.u32 s2, $0x2;
	_ =	strace $0x80000047;
	s26 =	ssub.s32 $0x2, s5  }
0x9: {  	s6 =	sand.u32 $0x6, s6;
	s28 =	smul.u32 $0x7C00, s9;
	s8 =	sshrl.u32 s26, $0x1  }
0xa: {  	s9 =	smul.u32 $0x3C10, s9;
	s5 =	sor.u32 s5, s6;
	s10 =	ssub.s32 s26, s8  }
.Ltmp0:
0xb: {  	s4 =	sshll.u32 s5, $0x4;
	p0 =	seq.s32 s5, $0x7;
	(pc) =	sbr.rel .LBB2_1-.Ltmp0, $4  }
0xc: {  	s29 =	sshll.u32 s5, $0xB;
	s5 =	simm.s32 $0xC;
	s11 =	sshrl.u32 s28, $0x4  }
0xd: {  	s6 =	sadd.s32 s28, s29;
	s5 =	simm.s32 @!p0 $0x10;
	s30 =	sadd.s32 s7, s11  }
0xe: {  	s10 =	smax.u32 s10, $0x1;
	s11 =	simm.s32 $0x400;
	s31 =	sshrl.u32 s6, $0x4  }
0xf: {  	s6 =	sadd.s32 $0x3E0, s30;
	s8 =	sadd.s32 $0x380, s30;
	s7 =	sadd.s32 s7, s31  }
.LBB2_11:
0x10: {  	s17 =	sadd.s32 $0x1, s17  }
0x11: {  	_ =	swait.ge [sflag:s15], $0x1F00;
	p1 =	sne.s32 s17, s10  }
.Ltmp1:
0x12: {  	[sflag:s15] =	ssyncset.done $0x0;
	(pc) =	sbr.rel @!p1 .LBB2_12-.Ltmp1, $4  }
0x13: {  	[sflag:s15] =	ssyncadd.s32 $0xFFFFE100  }
0x14: {  	_ =	swait.ge [sflag:s16], $0x1F00  }
0x15: {  	[sflag:s16] =	ssyncset.done $0x0  }
0x16: {  	[sflag:s16] =	ssyncadd.s32 $0xFFFFE100  }
.LBB2_1:
0x17: {  	[tilespmem:s11], [sflag:$0x3] =	stream.linear.gather [hbm4b:s6+s3], $0x1F00, $0x38;
	[tilespmem:$0x6100] =	vst v63  }
0x18: {  	_ =	swait.ge [sflag:s12], $0x1F00  }
0x19: {  	[sflag:s12] =	ssyncset.done $0x0  }
0x1a: {  	s18 =	simm.s32 @p0 $0x0;
	[sflag:s12] =	ssyncadd.s32 $0xFFFFE100  }
0x1b: {  	[tilespmem:s18], [sflag:$0x3] =	stream.linear.gather @p0 [hbm4b:s8+s18], $0x300, $0x38;
	[tilespmem:$0x6100] =	vst v63  }
0x1c: {  	s18 =	simm.s32 @p0 $0x3  }
0x1d: {  	_ =	swait.ge @p0 [sflag:s18], $0x300  }
0x1e: {  	[sflag:s18] =	ssyncset.done @p0 $0x0  }
0x1f: {  	[sflag:s18] =	ssyncadd.s32 @p0 $0xFFFFFD00;
	s18 =	simm.s32 @!p0 $0x0  }
0x20: {  	[tilespmem:s18], [sflag:$0x3] =	stream.linear.gather @!p0 [hbm4b:s7+s18], $0x400, $0x38;
	[tilespmem:$0x6100] =	vst v63  }
.Ltmp2:
0x21: {  	_ = 	snop;
	(pc) =	sbr.rel .LBB2_2-.Ltmp2, $4  }
0x22: {  	s18 =	simm.s32 @!p0 $0x3  }
0x23: {  	_ =	swait.ge @!p0 [sflag:s18], $0x400  }
0x24: {  	[sflag:s18] =	ssyncset.done @!p0 $0x0  }
0x25: {  	[sflag:s18] =	ssyncadd.s32 @!p0 $0xFFFFFC00;
	s18 =	simm.s32 $0x0  }
.LBB2_10:
0x26: {  	s18 =	sadd.s32 $0x1, s18  }
0x27: {  	p1 =	sne.s32 s18, $0x8  }
.Ltmp3:
0x28: {  	_ = 	snop;
	(pc) =	sbr.rel @!p1 .LBB2_11-.Ltmp3, $1  }
0x29: {  	_ =	sdelay $0x3  }
.LBB2_2:
0x2a: {  	s19 =	sshll.u32 s18, $0x1;
	p1 =	seq.s32 s18, $0x0  }
0x2b: {  	p2 =	sge.u32 @!p1 s19, s5;
	p3 =	sge.u32 s19, s5  }
.Ltmp4:
0x2c: {  	p2 =	por p2, p1;
	(pc) =	sbr.rel @p3 .LBB2_6-.Ltmp4, $4  }
0x2d: {  	s20 =	simm.s32 @!p2 $0x1  }
0x2e: {  	_ =	swait.ge @!p2 [sflag:s20], $0x1F00  }
0x2f: {  	[sflag:s20] =	ssyncset.done @!p2 $0x0  }
0x30: {  	[sflag:s20] =	ssyncadd.s32 @!p2 $0xFFFFE100  }
0x31: {  	s20 =	sshll.u32 s18, $0x7  }
0x32: {  	s20 =	sand.u32 $0x3FFFFF80, s20  }
0x33: {  	v2 =	vld [tilespmem:s20+$0x0]  }
0x34: {  	v1 =	vld [tilespmem:s20+$0x10]  }
0x35: {  	v0 =	vld [tilespmem:s20+$0x20]  }
0x36: {  	v3 =	vld [tilespmem:s20+$0x30];
	s20 =	simm.s32 $0x0  }
0x37: {  	v4 =	vld [tilespmem:s20+$0x4F0]  }
0x38: {  	v5 =	vld [tilespmem:s20+$0x400]  }
0x39: {  	v6 =	vld [tilespmem:s20+$0x410]  }
0x3a: {  	v7 =	vld [tilespmem:s20+$0x420]  }
0x3b: {  	v10 =	vld [tilespmem:s20+$0x450]  }
0x3c: {  	v8 =	vld [tilespmem:s20+$0x430];
	v4 =	vadd.bf16 v4, v3  }
0x3d: {  	v9 =	vld [tilespmem:s20+$0x440];
	v5 =	vadd.bf16 v5, v2  }
0x3e: {  	v11 =	vld [tilespmem:s20+$0x460];
	[tilespmem:s20+$0x23F0] =	vst v4;
	v4 =	vadd.bf16 v6, v1  }
0x3f: {  	v12 =	vld [tilespmem:s20+$0x470];
	[tilespmem:s20+$0x2300] =	vst v5;
	v5 =	vadd.bf16 v7, v0  }
0x40: {  	v6 =	vadd.bf16 v10, v1;
	[tilespmem:s20+$0x2310] =	vst v4  }
0x41: {  	v13 =	vld [tilespmem:s20+$0x480];
	v4 =	vadd.bf16 v8, v3;
	[tilespmem:s20+$0x2320] =	vst v5  }
0x42: {  	v8 =	vld [tilespmem:s20+$0x490];
	v5 =	vadd.bf16 v9, v2;
	[tilespmem:s20+$0x2350] =	vst v6  }
0x43: {  	v7 =	vadd.bf16 v11, v0;
	[tilespmem:s20+$0x2330] =	vst v4;
	v4 =	vld [tilespmem:s20+$0x4A0]  }
0x44: {  	v9 =	vadd.bf16 v12, v3;
	[tilespmem:s20+$0x2340] =	vst v5;
	v5 =	vld [tilespmem:s20+$0x4B0]  }
0x45: {  	v6 =	vld [tilespmem:s20+$0x4C0];
	[tilespmem:s20+$0x2360] =	vst v7  }
0x46: {  	v7 =	vld [tilespmem:s20+$0x4D0];
	[tilespmem:s20+$0x2370] =	vst v9;
	v9 =	vadd.bf16 v13, v2  }
0x47: {  	s21 =	simm.s32 $0x100;
	s22 =	simm.s32 $0x800;
	v10 =	vadd.bf16 v8, v1;
	v8 =	vld [tilespmem:s20+$0x4E0]  }
.LBB2_4:
0x48: {  	p2 =	sne.s32 s22, $0x7800;
	v11 =	vld [tilespmem:s21+$0x4F0];
	[tilespmem:s20+$0x2380] =	vst v9;
	v4 =	vadd.bf16 v4, v0  }
0x49: {  	v9 =	vld [tilespmem:s21+$0x400];
	[tilespmem:s20+$0x2390] =	vst v10;
	v5 =	vadd.bf16 v5, v3  }
0x4a: {  	v10 =	vld [tilespmem:s21+$0x410];
	[tilespmem:s20+$0x23A0] =	vst v4;
	v4 =	vadd.bf16 v6, v2  }
0x4b: {  	v6 =	vld [tilespmem:s21+$0x420];
	[tilespmem:s20+$0x23B0] =	vst v5;
	v5 =	vadd.bf16 v7, v1  }
0x4c: {  	v7 =	vld [tilespmem:s21+$0x430];
	[tilespmem:s20+$0x23C0] =	vst v4;
	v4 =	vadd.bf16 v8, v0  }
0x4d: {  	v8 =	vld [tilespmem:s21+$0x440];
	v11 =	vadd.bf16 v11, v3;
	[tilespmem:s20+$0x23D0] =	vst v5  }
0x4e: {  	v5 =	vadd.bf16 v9, v2;
	v9 =	vld [tilespmem:s21+$0x450];
	[tilespmem:s20+$0x23E0] =	vst v4;
	s20 =	smov.u32 s21  }
0x4f: {  	v4 =	vadd.bf16 v10, v1;
	v10 =	vld [tilespmem:s20+$0x460];
	[tilespmem:s20+$0x23F0] =	vst v11  }
0x50: {  	[tilespmem:s20+$0x2300] =	vst v5;
	v5 =	vadd.bf16 v6, v0;
	v6 =	vld [tilespmem:s20+$0x470]  }
0x51: {  	[tilespmem:s20+$0x2310] =	vst v4;
	v4 =	vadd.bf16 v7, v3;
	v7 =	vld [tilespmem:s20+$0x480]  }
0x52: {  	[tilespmem:s20+$0x2320] =	vst v5;
	v5 =	vadd.bf16 v8, v2;
	v8 =	vld [tilespmem:s20+$0x490]  }
.Ltmp5:
0x53: {  	[tilespmem:s20+$0x2330] =	vst v4;
	v9 =	vadd.bf16 v9, v1;
	v4 =	vld [tilespmem:s20+$0x4A0];
	(pc) =	sbr.rel @p2 .LBB2_4-.Ltmp5, $4  }
0x54: {  	[tilespmem:s20+$0x2340] =	vst v5;
	v10 =	vadd.bf16 v10, v0;
	v5 =	vld [tilespmem:s20+$0x4B0]  }
0x55: {  	[tilespmem:s20+$0x2350] =	vst v9;
	v11 =	vadd.bf16 v6, v3;
	v6 =	vld [tilespmem:s20+$0x4C0]  }
0x56: {  	[tilespmem:s20+$0x2360] =	vst v10;
	v9 =	vadd.bf16 v7, v2;
	v7 =	vld [tilespmem:s20+$0x4D0]  }
0x57: {  	s21 =	sshra.s32 s22, $0x2;
	s22 =	sadd.s32 $0x400, s22;
	[tilespmem:s20+$0x2370] =	vst v11;
	v10 =	vadd.bf16 v8, v1;
	v8 =	vld [tilespmem:s20+$0x4E0]  }
0x58: {  	v11 =	vld [tilespmem:s21+$0x4F0];
	[tilespmem:s20+$0x2380] =	vst v9;
	v4 =	vadd.bf16 v4, v0  }
0x59: {  	v9 =	vld [tilespmem:s21+$0x400];
	[tilespmem:s20+$0x2390] =	vst v10;
	v5 =	vadd.bf16 v5, v3  }
0x5a: {  	v10 =	vld [tilespmem:s21+$0x410];
	[tilespmem:s20+$0x23A0] =	vst v4;
	v6 =	vadd.bf16 v6, v2  }
0x5b: {  	v4 =	vld [tilespmem:s21+$0x420];
	[tilespmem:s20+$0x23B0] =	vst v5;
	v7 =	vadd.bf16 v7, v1  }
0x5c: {  	v5 =	vld [tilespmem:s21+$0x430];
	[tilespmem:s20+$0x23C0] =	vst v6;
	v8 =	vadd.bf16 v8, v0  }
0x5d: {  	v6 =	vld [tilespmem:s21+$0x440];
	[tilespmem:s20+$0x23D0] =	vst v7;
	v11 =	vadd.bf16 v11, v3  }
0x5e: {  	v7 =	vld [tilespmem:s21+$0x450];
	[tilespmem:s20+$0x23E0] =	vst v8;
	v50 =	vadd.bf16 v9, v2  }
0x5f: {  	v51 =	vld [tilespmem:s21+$0x460];
	[tilespmem:s21+$0x23F0] =	vst v11;
	v10 =	vadd.bf16 v10, v1  }
0x60: {  	v52 =	vld [tilespmem:s21+$0x470];
	[tilespmem:s21+$0x2300] =	vst v50;
	v4 =	vadd.bf16 v4, v0  }
0x61: {  	v53 =	vld [tilespmem:s21+$0x480];
	[tilespmem:s21+$0x2310] =	vst v10;
	v5 =	vadd.bf16 v5, v3  }
0x62: {  	v54 =	vld [tilespmem:s21+$0x490];
	[tilespmem:s21+$0x2320] =	vst v4;
	v6 =	vadd.bf16 v6, v2  }
0x63: {  	v55 =	vld [tilespmem:s21+$0x4A0];
	[tilespmem:s21+$0x2330] =	vst v5;
	v7 =	vadd.bf16 v7, v1  }
0x64: {  	v56 =	vld [tilespmem:s21+$0x4B0];
	[tilespmem:s21+$0x2340] =	vst v6;
	v9 =	vadd.bf16 v51, v0  }
0x65: {  	v57 =	vld [tilespmem:s21+$0x4C0];
	v8 =	vadd.bf16 v52, v3;
	[tilespmem:s21+$0x2350] =	vst v7  }
0x66: {  	v58 =	vld [tilespmem:s21+$0x4D0];
	v10 =	vadd.bf16 v53, v2;
	[tilespmem:s21+$0x2360] =	vst v9  }
0x67: {  	v59 =	vld [tilespmem:s21+$0x4E0];
	v4 =	vadd.bf16 v54, v1;
	[tilespmem:s21+$0x2370] =	vst v8  }
0x68: {  	s31 =	sadd.s32 s4, s19;
	v5 =	vadd.bf16 v55, v0;
	[tilespmem:s21+$0x2380] =	vst v10  }
0x69: {  	s20 =	smul.u32 $0x7C, s31;
	v60 =	vadd.bf16 v56, v3;
	[tilespmem:s21+$0x2390] =	vst v4  }
0x6a: {  	v61 =	vadd.bf16 v57, v2;
	[tilespmem:s21+$0x23A0] =	vst v5  }
0x6b: {  	s20 =	sadd.s32 s9, s20;
	v62 =	vadd.bf16 v58, v1;
	[tilespmem:s21+$0x23B0] =	vst v60  }
0x6c: {  	s20 =	sshll.u32 s20, $0x3;
	v63 =	vadd.bf16 v59, v0;
	[tilespmem:s21+$0x23C0] =	vst v61  }
0x6d: {  	s20 =	sand.u32 $0xFFFFFC0, s20;
	[tilespmem:s21+$0x23D0] =	vst v62  }
0x6e: {  	s20 =	sadd.s32 s1, s20;
	[tilespmem:s21+$0x23E0] =	vst v63  }
0x6f: {  	[hbm4b:s20+s3] =	stream.linear.scatter [tilespmem:s13], [sflag:$0x1], $0x1F00, $0x38;
	[tilespmem:$0x6100] =	vst v63  }
.LBB2_6:
0x70: {  	s19 =	sor.u32 $0x1, s19  }
0x71: {  	p2 =	sge.u32 @!p1 s19, s5  }
0x72: {  	p1 =	por p2, p1;
	p2 =	sge.u32 s19, s5  }
.Ltmp6:
0x73: {  	_ = 	snop;
	(pc) =	sbr.rel @p2 .LBB2_10-.Ltmp6, $4  }
0x74: {  	s20 =	simm.s32 @!p1 $0x2  }
0x75: {  	_ =	swait.ge @!p1 [sflag:s20], $0x1F00  }
0x76: {  	[sflag:s20] =	ssyncset.done @!p1 $0x0  }
0x77: {  	[sflag:s20] =	ssyncadd.s32 @!p1 $0xFFFFE100  }
0x78: {  	s20 =	sshll.u32 s19, $0x6  }
0x79: {  	s20 =	sand.u32 $0x3FFFFFC0, s20  }
0x7a: {  	v2 =	vld [tilespmem:s20+$0x0]  }
0x7b: {  	v1 =	vld [tilespmem:s20+$0x10]  }
0x7c: {  	v0 =	vld [tilespmem:s20+$0x20]  }
0x7d: {  	v3 =	vld [tilespmem:s20+$0x30];
	s20 =	simm.s32 $0x0  }
0x7e: {  	v4 =	vld [tilespmem:s20+$0x4F0]  }
0x7f: {  	v5 =	vld [tilespmem:s20+$0x400]  }
0x80: {  	v6 =	vld [tilespmem:s20+$0x410]  }
0x81: {  	v7 =	vld [tilespmem:s20+$0x420]  }
0x82: {  	v10 =	vld [tilespmem:s20+$0x450]  }
0x83: {  	v8 =	vld [tilespmem:s20+$0x430];
	v4 =	vadd.bf16 v4, v3  }
0x84: {  	v9 =	vld [tilespmem:s20+$0x440];
	v5 =	vadd.bf16 v5, v2  }
0x85: {  	v11 =	vld [tilespmem:s20+$0x460];
	[tilespmem:s20+$0x42F0] =	vst v4;
	v4 =	vadd.bf16 v6, v1  }
0x86: {  	v12 =	vld [tilespmem:s20+$0x470];
	[tilespmem:s20+$0x4200] =	vst v5;
	v5 =	vadd.bf16 v7, v0  }
0x87: {  	v6 =	vadd.bf16 v10, v1;
	[tilespmem:s20+$0x4210] =	vst v4  }
0x88: {  	v13 =	vld [tilespmem:s20+$0x480];
	v4 =	vadd.bf16 v8, v3;
	[tilespmem:s20+$0x4220] =	vst v5  }
0x89: {  	v8 =	vld [tilespmem:s20+$0x490];
	v5 =	vadd.bf16 v9, v2;
	[tilespmem:s20+$0x4250] =	vst v6  }
0x8a: {  	v7 =	vadd.bf16 v11, v0;
	[tilespmem:s20+$0x4230] =	vst v4;
	v4 =	vld [tilespmem:s20+$0x4A0]  }
0x8b: {  	v9 =	vadd.bf16 v12, v3;
	[tilespmem:s20+$0x4240] =	vst v5;
	v5 =	vld [tilespmem:s20+$0x4B0]  }
0x8c: {  	v6 =	vld [tilespmem:s20+$0x4C0];
	[tilespmem:s20+$0x4260] =	vst v7  }
0x8d: {  	v7 =	vld [tilespmem:s20+$0x4D0];
	[tilespmem:s20+$0x4270] =	vst v9;
	v9 =	vadd.bf16 v13, v2  }
0x8e: {  	s21 =	simm.s32 $0x100;
	s22 =	simm.s32 $0x800;
	v10 =	vadd.bf16 v8, v1;
	v8 =	vld [tilespmem:s20+$0x4E0]  }
.LBB2_8:
0x8f: {  	p1 =	sne.s32 s22, $0x7800;
	v11 =	vld [tilespmem:s21+$0x4F0];
	[tilespmem:s20+$0x4280] =	vst v9;
	v4 =	vadd.bf16 v4, v0  }
0x90: {  	v9 =	vld [tilespmem:s21+$0x400];
	[tilespmem:s20+$0x4290] =	vst v10;
	v5 =	vadd.bf16 v5, v3  }
0x91: {  	v10 =	vld [tilespmem:s21+$0x410];
	[tilespmem:s20+$0x42A0] =	vst v4;
	v4 =	vadd.bf16 v6, v2  }
0x92: {  	v6 =	vld [tilespmem:s21+$0x420];
	[tilespmem:s20+$0x42B0] =	vst v5;
	v5 =	vadd.bf16 v7, v1  }
0x93: {  	v7 =	vld [tilespmem:s21+$0x430];
	[tilespmem:s20+$0x42C0] =	vst v4;
	v4 =	vadd.bf16 v8, v0  }
0x94: {  	v8 =	vld [tilespmem:s21+$0x440];
	v11 =	vadd.bf16 v11, v3;
	[tilespmem:s20+$0x42D0] =	vst v5  }
0x95: {  	v5 =	vadd.bf16 v9, v2;
	v9 =	vld [tilespmem:s21+$0x450];
	[tilespmem:s20+$0x42E0] =	vst v4;
	s20 =	smov.u32 s21  }
0x96: {  	v4 =	vadd.bf16 v10, v1;
	v10 =	vld [tilespmem:s20+$0x460];
	[tilespmem:s20+$0x42F0] =	vst v11  }
0x97: {  	[tilespmem:s20+$0x4200] =	vst v5;
	v5 =	vadd.bf16 v6, v0;
	v6 =	vld [tilespmem:s20+$0x470]  }
0x98: {  	[tilespmem:s20+$0x4210] =	vst v4;
	v4 =	vadd.bf16 v7, v3;
	v7 =	vld [tilespmem:s20+$0x480]  }
0x99: {  	[tilespmem:s20+$0x4220] =	vst v5;
	v5 =	vadd.bf16 v8, v2;
	v8 =	vld [tilespmem:s20+$0x490]  }
.Ltmp7:
0x9a: {  	[tilespmem:s20+$0x4230] =	vst v4;
	v9 =	vadd.bf16 v9, v1;
	v4 =	vld [tilespmem:s20+$0x4A0];
	(pc) =	sbr.rel @p1 .LBB2_8-.Ltmp7, $4  }
0x9b: {  	[tilespmem:s20+$0x4240] =	vst v5;
	v10 =	vadd.bf16 v10, v0;
	v5 =	vld [tilespmem:s20+$0x4B0]  }
0x9c: {  	[tilespmem:s20+$0x4250] =	vst v9;
	v11 =	vadd.bf16 v6, v3;
	v6 =	vld [tilespmem:s20+$0x4C0]  }
0x9d: {  	[tilespmem:s20+$0x4260] =	vst v10;
	v9 =	vadd.bf16 v7, v2;
	v7 =	vld [tilespmem:s20+$0x4D0]  }
0x9e: {  	s21 =	sshra.s32 s22, $0x2;
	s22 =	sadd.s32 $0x400, s22;
	[tilespmem:s20+$0x4270] =	vst v11;
	v10 =	vadd.bf16 v8, v1;
	v8 =	vld [tilespmem:s20+$0x4E0]  }
0x9f: {  	v11 =	vld [tilespmem:s21+$0x4F0];
	[tilespmem:s20+$0x4280] =	vst v9;
	v4 =	vadd.bf16 v4, v0  }
0xa0: {  	v9 =	vld [tilespmem:s21+$0x400];
	[tilespmem:s20+$0x4290] =	vst v10;
	v5 =	vadd.bf16 v5, v3  }
0xa1: {  	v10 =	vld [tilespmem:s21+$0x410];
	[tilespmem:s20+$0x42A0] =	vst v4;
	v6 =	vadd.bf16 v6, v2  }
0xa2: {  	v4 =	vld [tilespmem:s21+$0x420];
	[tilespmem:s20+$0x42B0] =	vst v5;
	v7 =	vadd.bf16 v7, v1  }
0xa3: {  	v5 =	vld [tilespmem:s21+$0x430];
	[tilespmem:s20+$0x42C0] =	vst v6;
	v8 =	vadd.bf16 v8, v0  }
0xa4: {  	v6 =	vld [tilespmem:s21+$0x440];
	[tilespmem:s20+$0x42D0] =	vst v7;
	v11 =	vadd.bf16 v11, v3  }
0xa5: {  	v7 =	vld [tilespmem:s21+$0x450];
	[tilespmem:s20+$0x42E0] =	vst v8;
	v50 =	vadd.bf16 v9, v2  }
0xa6: {  	v51 =	vld [tilespmem:s21+$0x460];
	[tilespmem:s21+$0x42F0] =	vst v11;
	v10 =	vadd.bf16 v10, v1  }
0xa7: {  	v52 =	vld [tilespmem:s21+$0x470];
	[tilespmem:s21+$0x4200] =	vst v50;
	v4 =	vadd.bf16 v4, v0  }
0xa8: {  	v53 =	vld [tilespmem:s21+$0x480];
	[tilespmem:s21+$0x4210] =	vst v10;
	v5 =	vadd.bf16 v5, v3  }
0xa9: {  	v54 =	vld [tilespmem:s21+$0x490];
	[tilespmem:s21+$0x4220] =	vst v4;
	v6 =	vadd.bf16 v6, v2  }
0xaa: {  	v55 =	vld [tilespmem:s21+$0x4A0];
	[tilespmem:s21+$0x4230] =	vst v5;
	v7 =	vadd.bf16 v7, v1  }
0xab: {  	v56 =	vld [tilespmem:s21+$0x4B0];
	[tilespmem:s21+$0x4240] =	vst v6;
	v9 =	vadd.bf16 v51, v0  }
0xac: {  	v57 =	vld [tilespmem:s21+$0x4C0];
	v8 =	vadd.bf16 v52, v3;
	[tilespmem:s21+$0x4250] =	vst v7  }
0xad: {  	v58 =	vld [tilespmem:s21+$0x4D0];
	v10 =	vadd.bf16 v53, v2;
	[tilespmem:s21+$0x4260] =	vst v9  }
0xae: {  	v59 =	vld [tilespmem:s21+$0x4E0];
	v4 =	vadd.bf16 v54, v1;
	[tilespmem:s21+$0x4270] =	vst v8  }
0xaf: {  	s19 =	sadd.s32 s4, s19;
	v5 =	vadd.bf16 v55, v0;
	[tilespmem:s21+$0x4280] =	vst v10  }
0xb0: {  	s19 =	smul.u32 $0x7C, s19;
	v60 =	vadd.bf16 v56, v3;
	[tilespmem:s21+$0x4290] =	vst v4  }
0xb1: {  	v61 =	vadd.bf16 v57, v2;
	[tilespmem:s21+$0x42A0] =	vst v5  }
.Ltmp8:
0xb2: {  	s19 =	sadd.s32 s9, s19;
	v62 =	vadd.bf16 v58, v1;
	[tilespmem:s21+$0x42B0] =	vst v60;
	(pc) =	sbr.rel .LBB2_10-.Ltmp8, $4  }
0xb3: {  	s19 =	sshll.u32 s19, $0x3;
	v63 =	vadd.bf16 v59, v0;
	[tilespmem:s21+$0x42C0] =	vst v61  }
0xb4: {  	s19 =	sand.u32 $0xFFFFFE0, s19;
	[tilespmem:s21+$0x42D0] =	vst v62  }
0xb5: {  	s19 =	sadd.s32 s1, s19;
	[tilespmem:s21+$0x42E0] =	vst v63  }
0xb6: {  	[hbm4b:s19+s3] =	stream.linear.scatter [tilespmem:s14], [sflag:$0x2], $0x1F00, $0x38;
	[tilespmem:$0x6100] =	vst v63  }
.LBB2_12:
0xb7: {  	_ =	sfence.sel $0x180000  }
0xb8: {  	[bflag:$0x0] =	sbarrier.arrive $0xFFFF  }
0xb9: {  	p0 =	sne.s32 s2, $0x0;
	_ =	strace $0x90000047  }
0xba: {  	s0 =	sadd.s32 @!p0 $0x100000, s0;
	[bflag:$0x2] =	sbarrier.arrive $0xFFFF  }
0xbb: {  	[sflag:s0] =	ssyncadd.tile.s32 @!p0 $0x1;
	_ =	shalt  }
.Lfunc_end2:
_tile_overlayer_lowered:
.L_overlay_start_2:
0xbc: {  	(tag) =	ssettag $0x2  }
0xbd: {  	s0 =	rddreg [dreg:$0x0];
	s2 =	stileid.u32  }
0xbe: {  	s1 =	rddreg [dreg:$0x1];
	p0 =	sne.s32 s2, $0x0  }
0xbf: {  	s3 =	rddreg [dreg:$0x2];
	[bflag:$0x3] =	sbarrier.arrive $0xFFFF;
	s2 =	simm.s32 @!p0 $0x1C03  }
0xc0: {  	[timem:s3], [sflag:s2] =	dma.local @!p0 [hbm:s0], s1  }
0xc1: {  	s0 =	simm.s32 @!p0 $0x3  }
0xc2: {  	_ =	swait.ge @!p0 [sflag:s0], s1  }
0xc3: {  	s1 =	ssub.s32 @!p0 $0x0, s1;
	[sflag:s0] =	ssyncset.done @!p0 $0x0  }
0xc4: {  	[sflag:s0] =	ssyncadd.s32 @!p0 s1  }
0xc5: {  	[bflag:$0x3] =	sbarrier.arrive $0xFFFF  }
0xc6: {  	_ =	shalt  }

</sc_bundles>
